<compile_context>
chip_gen: v7x
topology: tpu7x:2x2x1
jax: 0.10.2.dev20260603
libtpu: 0.0.44.dev20260713+nightly
codegen_flags: <defaults>
</compile_context>

<pallas_src>
import functools

import jax
import jax.numpy as jnp
from jax import lax
from jax.experimental import pallas as pl
from jax.experimental.pallas import tpu as pltpu
from jax.experimental.pallas import tpu_sc as plsc

_NC = 2
_NS = 16
_NW = _NC * _NS
_CH = 128
_K = 8


@functools.lru_cache(maxsize=None)
def _build(n_rows: int, d: int, n_idx: int):
    assert n_idx % (_NW * _CH * _K) == 0
    per_w = n_idx // _NW
    n_ch = per_w // _CH
    n_g = n_ch // _K
    grp = _K * _CH

    mesh = plsc.VectorSubcoreMesh(core_axis_name="c", subcore_axis_name="s")

    @functools.partial(
        pl.kernel,
        mesh=mesh,
        compiler_params=pltpu.CompilerParams(use_tc_tiling_on_sc=False),
        out_type=jax.ShapeDtypeStruct((n_idx, d), jnp.float32),
        scratch_types=[
            pltpu.VMEM((n_ch, _CH), jnp.int32),
            pltpu.VMEM((2, grp, d), jnp.float32),
            pltpu.SemaphoreType.DMA((2,)),
            pltpu.SemaphoreType.DMA((2,)),
        ],
    )
    def gather_kernel(lut_hbm, idx_hbm, out_hbm, idx_v, buf_v, gsem, wsem):
        wid = lax.axis_index("s") * _NC + lax.axis_index("c")
        base = wid * per_w
        pltpu.sync_copy(idx_hbm.at[wid], idx_v)

        def fire_group(g, b):
            for k in range(_K):
                pltpu.async_copy(
                    lut_hbm.at[idx_v.at[g * _K + k]],
                    buf_v.at[b].at[pl.ds(k * _CH, _CH)],
                    gsem.at[b],
                )

        def drain(sem_ref, b, g):
            pltpu.make_async_copy(
                out_hbm.at[pl.ds(base + g * grp, grp)], buf_v.at[b], sem_ref.at[b]
            ).wait()

        fire_group(0, 0)

        def body(g, carry):
            b = lax.rem(g, 2)
            nb = 1 - b

            @pl.when(g + 1 < n_g)
            def _():
                @pl.when(g >= 1)
                def _():
                    drain(wsem, nb, g - 1)

                fire_group(g + 1, nb)

            drain(gsem, b, g)
            pltpu.async_copy(
                buf_v.at[b], out_hbm.at[pl.ds(base + g * grp, grp)], wsem.at[b]
            )
            return carry

        lax.fori_loop(0, n_g, body, 0)
        drain(wsem, (n_g - 2) % 2, n_g - 2)
        drain(wsem, (n_g - 1) % 2, n_g - 1)

    return gather_kernel


def kernel(lut, tdata):
    n_rows, d = lut.shape
    b0, b1 = tdata.shape
    n_idx = b0 * b1
    idx = tdata.astype(jnp.int32).reshape(_NW, n_idx // (_NW * _CH), _CH)
    out = _build(n_rows, d, n_idx)(lut, idx)
    return out.reshape(b0, b1, d)

# --- scband reference (transcript-rebuilt; emitter-appended) ---
"""Pipeline reference for scband-apply-lut-35107062678076 (READ-ONLY COPY).

The authoritative reference and input builder live on the scoring server;
editing this copy changes nothing except your own understanding.
"""

import jax, jax.numpy as jnp
import numpy as np

def setup_inputs(seed: int = 0) -> dict:
    key = jax.random.key(seed)
    k1, k2 = jax.random.split(key)
    lut = jax.random.normal(k1, (1000000, 32), dtype=jnp.float32)
    tdata = jax.random.randint(k2, (16384, 26), 0, 1000000, dtype=jnp.int64)
    return {"lut": lut, "tdata": tdata}

def reference(lut, tdata):
    # Faithful translation of ApplyLUT.forward:
    # tdata = tdata.to(int32); tdata = lut[tdata]
    idx = tdata.astype(jnp.int32)
    out = jnp.take(lut, idx, axis=0)
    return out

if __name__ == "__main__":
    import jax
    _d = setup_inputs()
    print(jax.jit(kernel)(*tuple(_d.values())))

</pallas_src>

<mosaic_0001>
#map = affine_map<(d0, d1) -> (0, 0)>
#map1 = affine_map<(d0, d1) -> (0, 0, 0)>
module attributes {stable_mosaic.version = 14 : i64} {
  func.func @gather_kernel(%arg0: i32, %arg1: i32, %arg2: memref<1000000x32xf32, #tpu.memory_space<hbm>>, %arg3: memref<32x104x128xi32, #tpu.memory_space<hbm>>, %arg4: memref<425984x32xf32, #tpu.memory_space<hbm>>, %arg5: memref<104x128xi32, #tpu.memory_space<vmem>>, %arg6: memref<2x1024x32xf32, #tpu.memory_space<vmem>>, %arg7: memref<2x!tpu.dma_semaphore, #tpu.memory_space<semaphore_mem>>, %arg8: memref<2x!tpu.dma_semaphore, #tpu.memory_space<semaphore_mem>>) attributes {dimension_semantics = [#tpu.dimension_semantics<core_parallel>, #tpu.dimension_semantics<subcore_parallel>], iteration_bounds = array<i64: 2, 16>, scalar_prefetch = 0 : i64, scratch_operands = 4 : i64, tpu.core_type = #tpu.core_type<sc_vector_subcore>, window_params = [{transform_indices = #map}, {transform_indices = #map1}, {transform_indices = #map}]} {
    %mul3A = arith.constant 2 : i32
    %mul3A_0 = arith.muli %arg1, %mul3A : i32
    %add3A = arith.addi %mul3A_0, %arg0 : i32
    %mul3A_1 = arith.constant 13312 : i32
    %mul3A_2 = arith.muli %add3A, %mul3A_1 : i32
    "tpu.region"() ({
      %run_scoped3A = tpu.sem_alloc : memref<!tpu.dma_semaphore, #tpu.memory_space<semaphore_mem>>
      %dma_start3A_186 = arith.constant 0 : i32
      %dma_start3A_187 = arith.constant 0 : i32
      %dma_start3A_188 = tpu.memref_slice %arg3[%add3A, %dma_start3A_186, %dma_start3A_187] : memref<32x104x128xi32, #tpu.memory_space<hbm>> -> memref<1x104x128xi32, #tpu.memory_space<hbm>>
      %dma_start3A_189 = tpu.memref_squeeze %dma_start3A_188 : memref<1x104x128xi32, #tpu.memory_space<hbm>> -> memref<104x128xi32, #tpu.memory_space<hbm>>
      %dma_start3A_190 = arith.constant 0 : i32
      %dma_start3A_191 = arith.constant 0 : i32
      %dma_start3A_192 = tpu.memref_slice %arg3[%add3A, %dma_start3A_190, %dma_start3A_191] : memref<32x104x128xi32, #tpu.memory_space<hbm>> -> memref<1x104x128xi32, #tpu.memory_space<hbm>>
      %dma_start3A_193 = tpu.memref_squeeze %dma_start3A_192 : memref<1x104x128xi32, #tpu.memory_space<hbm>> -> memref<104x128xi32, #tpu.memory_space<hbm>>
      tpu.enqueue_dma source(%dma_start3A_193 : memref<104x128xi32, #tpu.memory_space<hbm>>) target(%arg5 : memref<104x128xi32, #tpu.memory_space<vmem>>) target_semaphore(%run_scoped3A : memref<!tpu.dma_semaphore, #tpu.memory_space<semaphore_mem>>)
      %dma_wait3A_194 = arith.constant 0 : i32
      %dma_wait3A_195 = arith.constant 0 : i32
      %dma_wait3A_196 = tpu.memref_slice %arg3[%add3A, %dma_wait3A_194, %dma_wait3A_195] : memref<32x104x128xi32, #tpu.memory_space<hbm>> -> memref<1x104x128xi32, #tpu.memory_space<hbm>>
      %dma_wait3A_197 = tpu.memref_squeeze %dma_wait3A_196 : memref<1x104x128xi32, #tpu.memory_space<hbm>> -> memref<104x128xi32, #tpu.memory_space<hbm>>
      %dma_wait3A_198 = arith.constant 0 : i32
      %dma_wait3A_199 = arith.constant 0 : i32
      %dma_wait3A_200 = tpu.memref_slice %arg3[%add3A, %dma_wait3A_198, %dma_wait3A_199] : memref<32x104x128xi32, #tpu.memory_space<hbm>> -> memref<1x104x128xi32, #tpu.memory_space<hbm>>
      %dma_wait3A_201 = tpu.memref_squeeze %dma_wait3A_200 : memref<1x104x128xi32, #tpu.memory_space<hbm>> -> memref<104x128xi32, #tpu.memory_space<hbm>>
      tpu.wait_dma2 semaphore(%run_scoped3A : memref<!tpu.dma_semaphore, #tpu.memory_space<semaphore_mem>>) src(%dma_wait3A_201 : memref<104x128xi32, #tpu.memory_space<hbm>>) dst(%arg5 : memref<104x128xi32, #tpu.memory_space<vmem>>)
      tpu.yield
    }) : () -> ()
    %dma_start3A = arith.constant 0 : i32
    %dma_start3A_3 = arith.constant 0 : i32
    %dma_start3A_4 = arith.constant 0 : i32
    %dma_start3A_5 = arith.constant 0 : i32
    %dma_start3A_6 = arith.constant 0 : i32
    %dma_start3A_7 = tpu.memref_slice %arg6[%dma_start3A_3, %dma_start3A_5, %dma_start3A_6] : memref<2x1024x32xf32, #tpu.memory_space<vmem>> -> memref<1x1024x32xf32, #tpu.memory_space<vmem>>
    %dma_start3A_8 = tpu.memref_squeeze %dma_start3A_7 : memref<1x1024x32xf32, #tpu.memory_space<vmem>> -> memref<1024x32xf32, #tpu.memory_space<vmem>>
    %dma_start3A_9 = arith.constant 0 : i32
    %dma_start3A_10 = arith.constant 0 : i32
    %dma_start3A_11 = tpu.memref_slice %dma_start3A_8[%dma_start3A_9, %dma_start3A_10] : memref<1024x32xf32, #tpu.memory_space<vmem>> -> memref<128x32xf32, #tpu.memory_space<vmem>>
    %dma_start3A_12 = arith.constant 0 : i32
    %dma_start3A_13 = tpu.memref_slice %arg5[%dma_start3A, %dma_start3A_12] : memref<104x128xi32, #tpu.memory_space<vmem>> -> memref<1x128xi32, #tpu.memory_space<vmem>>
    %dma_start3A_14 = tpu.memref_squeeze %dma_start3A_13 : memref<1x128xi32, #tpu.memory_space<vmem>> -> memref<128xi32, #tpu.memory_space<vmem>>
    %dma_start3A_15 = arith.constant 0 : i32
    %dma_start3A_16 = arith.constant 0 : i32
    %dma_start3A_17 = tpu.memref_slice %arg2[%dma_start3A_15, %dma_start3A_16] : memref<1000000x32xf32, #tpu.memory_space<hbm>> -> memref<1000000x32xf32, #tpu.memory_space<hbm>>
    %dma_start3A_18 = tpu.memref_slice %arg7[%dma_start3A_4] : memref<2x!tpu.dma_semaphore, #tpu.memory_space<semaphore_mem>> -> memref<1x!tpu.dma_semaphore, #tpu.memory_space<semaphore_mem>>
    %dma_start3A_19 = tpu.memref_squeeze %dma_start3A_18 : memref<1x!tpu.dma_semaphore, #tpu.memory_space<semaphore_mem>> -> memref<!tpu.dma_semaphore, #tpu.memory_space<semaphore_mem>>
    tpu.enqueue_indirect_dma source(%dma_start3A_17 : memref<1000000x32xf32, #tpu.memory_space<hbm>>) target(%dma_start3A_11 : memref<128x32xf32, #tpu.memory_space<vmem>>) offsets(%dma_start3A_14 : memref<128xi32, #tpu.memory_space<vmem>>) semaphore(%dma_start3A_19 : memref<!tpu.dma_semaphore, #tpu.memory_space<semaphore_mem>>)
    %dma_start3A_20 = arith.constant 1 : i32
    %dma_start3A_21 = arith.constant 0 : i32
    %dma_start3A_22 = arith.constant 0 : i32
    %dma_start3A_23 = arith.constant 0 : i32
    %dma_start3A_24 = arith.constant 0 : i32
    %dma_start3A_25 = tpu.memref_slice %arg6[%dma_start3A_21, %dma_start3A_23, %dma_start3A_24] : memref<2x1024x32xf32, #tpu.memory_space<vmem>> -> memref<1x1024x32xf32, #tpu.memory_space<vmem>>
    %dma_start3A_26 = tpu.memref_squeeze %dma_start3A_25 : memref<1x1024x32xf32, #tpu.memory_space<vmem>> -> memref<1024x32xf32, #tpu.memory_space<vmem>>
    %dma_start3A_27 = arith.constant 128 : i32
    %dma_start3A_28 = arith.constant 0 : i32
    %dma_start3A_29 = tpu.memref_slice %dma_start3A_26[%dma_start3A_27, %dma_start3A_28] : memref<1024x32xf32, #tpu.memory_space<vmem>> -> memref<128x32xf32, #tpu.memory_space<vmem>>
    %dma_start3A_30 = arith.constant 0 : i32
    %dma_start3A_31 = tpu.memref_slice %arg5[%dma_start3A_20, %dma_start3A_30] : memref<104x128xi32, #tpu.memory_space<vmem>> -> memref<1x128xi32, #tpu.memory_space<vmem>>
    %dma_start3A_32 = tpu.memref_squeeze %dma_start3A_31 : memref<1x128xi32, #tpu.memory_space<vmem>> -> memref<128xi32, #tpu.memory_space<vmem>>
    %dma_start3A_33 = arith.constant 0 : i32
    %dma_start3A_34 = arith.constant 0 : i32
    %dma_start3A_35 = tpu.memref_slice %arg2[%dma_start3A_33, %dma_start3A_34] : memref<1000000x32xf32, #tpu.memory_space<hbm>> -> memref<1000000x32xf32, #tpu.memory_space<hbm>>
    %dma_start3A_36 = tpu.memref_slice %arg7[%dma_start3A_22] : memref<2x!tpu.dma_semaphore, #tpu.memory_space<semaphore_mem>> -> memref<1x!tpu.dma_semaphore, #tpu.memory_space<semaphore_mem>>
    %dma_start3A_37 = tpu.memref_squeeze %dma_start3A_36 : memref<1x!tpu.dma_semaphore, #tpu.memory_space<semaphore_mem>> -> memref<!tpu.dma_semaphore, #tpu.memory_space<semaphore_mem>>
    tpu.enqueue_indirect_dma source(%dma_start3A_35 : memref<1000000x32xf32, #tpu.memory_space<hbm>>) target(%dma_start3A_29 : memref<128x32xf32, #tpu.memory_space<vmem>>) offsets(%dma_start3A_32 : memref<128xi32, #tpu.memory_space<vmem>>) semaphore(%dma_start3A_37 : memref<!tpu.dma_semaphore, #tpu.memory_space<semaphore_mem>>)
    %dma_start3A_38 = arith.constant 2 : i32
    %dma_start3A_39 = arith.constant 0 : i32
    %dma_start3A_40 = arith.constant 0 : i32
    %dma_start3A_41 = arith.constant 0 : i32
    %dma_start3A_42 = arith.constant 0 : i32
    %dma_start3A_43 = tpu.memref_slice %arg6[%dma_start3A_39, %dma_start3A_41, %dma_start3A_42] : memref<2x1024x32xf32, #tpu.memory_space<vmem>> -> memref<1x1024x32xf32, #tpu.memory_space<vmem>>
    %dma_start3A_44 = tpu.memref_squeeze %dma_start3A_43 : memref<1x1024x32xf32, #tpu.memory_space<vmem>> -> memref<1024x32xf32, #tpu.memory_space<vmem>>
    %dma_start3A_45 = arith.constant 256 : i32
    %dma_start3A_46 = arith.constant 0 : i32
    %dma_start3A_47 = tpu.memref_slice %dma_start3A_44[%dma_start3A_45, %dma_start3A_46] : memref<1024x32xf32, #tpu.memory_space<vmem>> -> memref<128x32xf32, #tpu.memory_space<vmem>>
    %dma_start3A_48 = arith.constant 0 : i32
    %dma_start3A_49 = tpu.memref_slice %arg5[%dma_start3A_38, %dma_start3A_48] : memref<104x128xi32, #tpu.memory_space<vmem>> -> memref<1x128xi32, #tpu.memory_space<vmem>>
    %dma_start3A_50 = tpu.memref_squeeze %dma_start3A_49 : memref<1x128xi32, #tpu.memory_space<vmem>> -> memref<128xi32, #tpu.memory_space<vmem>>
    %dma_start3A_51 = arith.constant 0 : i32
    %dma_start3A_52 = arith.constant 0 : i32
    %dma_start3A_53 = tpu.memref_slice %arg2[%dma_start3A_51, %dma_start3A_52] : memref<1000000x32xf32, #tpu.memory_space<hbm>> -> memref<1000000x32xf32, #tpu.memory_space<hbm>>
    %dma_start3A_54 = tpu.memref_slice %arg7[%dma_start3A_40] : memref<2x!tpu.dma_semaphore, #tpu.memory_space<semaphore_mem>> -> memref<1x!tpu.dma_semaphore, #tpu.memory_space<semaphore_mem>>
    %dma_start3A_55 = tpu.memref_squeeze %dma_start3A_54 : memref<1x!tpu.dma_semaphore, #tpu.memory_space<semaphore_mem>> -> memref<!tpu.dma_semaphore, #tpu.memory_space<semaphore_mem>>
    tpu.enqueue_indirect_dma source(%dma_start3A_53 : memref<1000000x32xf32, #tpu.memory_space<hbm>>) target(%dma_start3A_47 : memref<128x32xf32, #tpu.memory_space<vmem>>) offsets(%dma_start3A_50 : memref<128xi32, #tpu.memory_space<vmem>>) semaphore(%dma_start3A_55 : memref<!tpu.dma_semaphore, #tpu.memory_space<semaphore_mem>>)
    %dma_start3A_56 = arith.constant 3 : i32
    %dma_start3A_57 = arith.constant 0 : i32
    %dma_start3A_58 = arith.constant 0 : i32
    %dma_start3A_59 = arith.constant 0 : i32
    %dma_start3A_60 = arith.constant 0 : i32
    %dma_start3A_61 = tpu.memref_slice %arg6[%dma_start3A_57, %dma_start3A_59, %dma_start3A_60] : memref<2x1024x32xf32, #tpu.memory_space<vmem>> -> memref<1x1024x32xf32, #tpu.memory_space<vmem>>
    %dma_start3A_62 = tpu.memref_squeeze %dma_start3A_61 : memref<1x1024x32xf32, #tpu.memory_space<vmem>> -> memref<1024x32xf32, #tpu.memory_space<vmem>>
    %dma_start3A_63 = arith.constant 384 : i32
    %dma_start3A_64 = arith.constant 0 : i32
    %dma_start3A_65 = tpu.memref_slice %dma_start3A_62[%dma_start3A_63, %dma_start3A_64] : memref<1024x32xf32, #tpu.memory_space<vmem>> -> memref<128x32xf32, #tpu.memory_space<vmem>>
    %dma_start3A_66 = arith.constant 0 : i32
    %dma_start3A_67 = tpu.memref_slice %arg5[%dma_start3A_56, %dma_start3A_66] : memref<104x128xi32, #tpu.memory_space<vmem>> -> memref<1x128xi32, #tpu.memory_space<vmem>>
    %dma_start3A_68 = tpu.memref_squeeze %dma_start3A_67 : memref<1x128xi32, #tpu.memory_space<vmem>> -> memref<128xi32, #tpu.memory_space<vmem>>
    %dma_start3A_69 = arith.constant 0 : i32
    %dma_start3A_70 = arith.constant 0 : i32
    %dma_start3A_71 = tpu.memref_slice %arg2[%dma_start3A_69, %dma_start3A_70] : memref<1000000x32xf32, #tpu.memory_space<hbm>> -> memref<1000000x32xf32, #tpu.memory_space<hbm>>
    %dma_start3A_72 = tpu.memref_slice %arg7[%dma_start3A_58] : memref<2x!tpu.dma_semaphore, #tpu.memory_space<semaphore_mem>> -> memref<1x!tpu.dma_semaphore, #tpu.memory_space<semaphore_mem>>
    %dma_start3A_73 = tpu.memref_squeeze %dma_start3A_72 : memref<1x!tpu.dma_semaphore, #tpu.memory_space<semaphore_mem>> -> memref<!tpu.dma_semaphore, #tpu.memory_space<semaphore_mem>>
    tpu.enqueue_indirect_dma source(%dma_start3A_71 : memref<1000000x32xf32, #tpu.memory_space<hbm>>) target(%dma_start3A_65 : memref<128x32xf32, #tpu.memory_space<vmem>>) offsets(%dma_start3A_68 : memref<128xi32, #tpu.memory_space<vmem>>) semaphore(%dma_start3A_73 : memref<!tpu.dma_semaphore, #tpu.memory_space<semaphore_mem>>)
    %dma_start3A_74 = arith.constant 4 : i32
    %dma_start3A_75 = arith.constant 0 : i32
    %dma_start3A_76 = arith.constant 0 : i32
    %dma_start3A_77 = arith.constant 0 : i32
    %dma_start3A_78 = arith.constant 0 : i32
    %dma_start3A_79 = tpu.memref_slice %arg6[%dma_start3A_75, %dma_start3A_77, %dma_start3A_78] : memref<2x1024x32xf32, #tpu.memory_space<vmem>> -> memref<1x1024x32xf32, #tpu.memory_space<vmem>>
    %dma_start3A_80 = tpu.memref_squeeze %dma_start3A_79 : memref<1x1024x32xf32, #tpu.memory_space<vmem>> -> memref<1024x32xf32, #tpu.memory_space<vmem>>
    %dma_start3A_81 = arith.constant 512 : i32
    %dma_start3A_82 = arith.constant 0 : i32
    %dma_start3A_83 = tpu.memref_slice %dma_start3A_80[%dma_start3A_81, %dma_start3A_82] : memref<1024x32xf32, #tpu.memory_space<vmem>> -> memref<128x32xf32, #tpu.memory_space<vmem>>
    %dma_start3A_84 = arith.constant 0 : i32
    %dma_start3A_85 = tpu.memref_slice %arg5[%dma_start3A_74, %dma_start3A_84] : memref<104x128xi32, #tpu.memory_space<vmem>> -> memref<1x128xi32, #tpu.memory_space<vmem>>
    %dma_start3A_86 = tpu.memref_squeeze %dma_start3A_85 : memref<1x128xi32, #tpu.memory_space<vmem>> -> memref<128xi32, #tpu.memory_space<vmem>>
    %dma_start3A_87 = arith.constant 0 : i32
    %dma_start3A_88 = arith.constant 0 : i32
    %dma_start3A_89 = tpu.memref_slice %arg2[%dma_start3A_87, %dma_start3A_88] : memref<1000000x32xf32, #tpu.memory_space<hbm>> -> memref<1000000x32xf32, #tpu.memory_space<hbm>>
    %dma_start3A_90 = tpu.memref_slice %arg7[%dma_start3A_76] : memref<2x!tpu.dma_semaphore, #tpu.memory_space<semaphore_mem>> -> memref<1x!tpu.dma_semaphore, #tpu.memory_space<semaphore_mem>>
    %dma_start3A_91 = tpu.memref_squeeze %dma_start3A_90 : memref<1x!tpu.dma_semaphore, #tpu.memory_space<semaphore_mem>> -> memref<!tpu.dma_semaphore, #tpu.memory_space<semaphore_mem>>
    tpu.enqueue_indirect_dma source(%dma_start3A_89 : memref<1000000x32xf32, #tpu.memory_space<hbm>>) target(%dma_start3A_83 : memref<128x32xf32, #tpu.memory_space<vmem>>) offsets(%dma_start3A_86 : memref<128xi32, #tpu.memory_space<vmem>>) semaphore(%dma_start3A_91 : memref<!tpu.dma_semaphore, #tpu.memory_space<semaphore_mem>>)
    %dma_start3A_92 = arith.constant 5 : i32
    %dma_start3A_93 = arith.constant 0 : i32
    %dma_start3A_94 = arith.constant 0 : i32
    %dma_start3A_95 = arith.constant 0 : i32
    %dma_start3A_96 = arith.constant 0 : i32
    %dma_start3A_97 = tpu.memref_slice %arg6[%dma_start3A_93, %dma_start3A_95, %dma_start3A_96] : memref<2x1024x32xf32, #tpu.memory_space<vmem>> -> memref<1x1024x32xf32, #tpu.memory_space<vmem>>
    %dma_start3A_98 = tpu.memref_squeeze %dma_start3A_97 : memref<1x1024x32xf32, #tpu.memory_space<vmem>> -> memref<1024x32xf32, #tpu.memory_space<vmem>>
    %dma_start3A_99 = arith.constant 640 : i32
    %dma_start3A_100 = arith.constant 0 : i32
    %dma_start3A_101 = tpu.memref_slice %dma_start3A_98[%dma_start3A_99, %dma_start3A_100] : memref<1024x32xf32, #tpu.memory_space<vmem>> -> memref<128x32xf32, #tpu.memory_space<vmem>>
    %dma_start3A_102 = arith.constant 0 : i32
    %dma_start3A_103 = tpu.memref_slice %arg5[%dma_start3A_92, %dma_start3A_102] : memref<104x128xi32, #tpu.memory_space<vmem>> -> memref<1x128xi32, #tpu.memory_space<vmem>>
    %dma_start3A_104 = tpu.memref_squeeze %dma_start3A_103 : memref<1x128xi32, #tpu.memory_space<vmem>> -> memref<128xi32, #tpu.memory_space<vmem>>
    %dma_start3A_105 = arith.constant 0 : i32
    %dma_start3A_106 = arith.constant 0 : i32
    %dma_start3A_107 = tpu.memref_slice %arg2[%dma_start3A_105, %dma_start3A_106] : memref<1000000x32xf32, #tpu.memory_space<hbm>> -> memref<1000000x32xf32, #tpu.memory_space<hbm>>
    %dma_start3A_108 = tpu.memref_slice %arg7[%dma_start3A_94] : memref<2x!tpu.dma_semaphore, #tpu.memory_space<semaphore_mem>> -> memref<1x!tpu.dma_semaphore, #tpu.memory_space<semaphore_mem>>
    %dma_start3A_109 = tpu.memref_squeeze %dma_start3A_108 : memref<1x!tpu.dma_semaphore, #tpu.memory_space<semaphore_mem>> -> memref<!tpu.dma_semaphore, #tpu.memory_space<semaphore_mem>>
    tpu.enqueue_indirect_dma source(%dma_start3A_107 : memref<1000000x32xf32, #tpu.memory_space<hbm>>) target(%dma_start3A_101 : memref<128x32xf32, #tpu.memory_space<vmem>>) offsets(%dma_start3A_104 : memref<128xi32, #tpu.memory_space<vmem>>) semaphore(%dma_start3A_109 : memref<!tpu.dma_semaphore, #tpu.memory_space<semaphore_mem>>)
    %dma_start3A_110 = arith.constant 6 : i32
    %dma_start3A_111 = arith.constant 0 : i32
    %dma_start3A_112 = arith.constant 0 : i32
    %dma_start3A_113 = arith.constant 0 : i32
    %dma_start3A_114 = arith.constant 0 : i32
    %dma_start3A_115 = tpu.memref_slice %arg6[%dma_start3A_111, %dma_start3A_113, %dma_start3A_114] : memref<2x1024x32xf32, #tpu.memory_space<vmem>> -> memref<1x1024x32xf32, #tpu.memory_space<vmem>>
    %dma_start3A_116 = tpu.memref_squeeze %dma_start3A_115 : memref<1x1024x32xf32, #tpu.memory_space<vmem>> -> memref<1024x32xf32, #tpu.memory_space<vmem>>
    %dma_start3A_117 = arith.constant 768 : i32
    %dma_start3A_118 = arith.constant 0 : i32
    %dma_start3A_119 = tpu.memref_slice %dma_start3A_116[%dma_start3A_117, %dma_start3A_118] : memref<1024x32xf32, #tpu.memory_space<vmem>> -> memref<128x32xf32, #tpu.memory_space<vmem>>
    %dma_start3A_120 = arith.constant 0 : i32
    %dma_start3A_121 = tpu.memref_slice %arg5[%dma_start3A_110, %dma_start3A_120] : memref<104x128xi32, #tpu.memory_space<vmem>> -> memref<1x128xi32, #tpu.memory_space<vmem>>
    %dma_start3A_122 = tpu.memref_squeeze %dma_start3A_121 : memref<1x128xi32, #tpu.memory_space<vmem>> -> memref<128xi32, #tpu.memory_space<vmem>>
    %dma_start3A_123 = arith.constant 0 : i32
    %dma_start3A_124 = arith.constant 0 : i32
    %dma_start3A_125 = tpu.memref_slice %arg2[%dma_start3A_123, %dma_start3A_124] : memref<1000000x32xf32, #tpu.memory_space<hbm>> -> memref<1000000x32xf32, #tpu.memory_space<hbm>>
    %dma_start3A_126 = tpu.memref_slice %arg7[%dma_start3A_112] : memref<2x!tpu.dma_semaphore, #tpu.memory_space<semaphore_mem>> -> memref<1x!tpu.dma_semaphore, #tpu.memory_space<semaphore_mem>>
    %dma_start3A_127 = tpu.memref_squeeze %dma_start3A_126 : memref<1x!tpu.dma_semaphore, #tpu.memory_space<semaphore_mem>> -> memref<!tpu.dma_semaphore, #tpu.memory_space<semaphore_mem>>
    tpu.enqueue_indirect_dma source(%dma_start3A_125 : memref<1000000x32xf32, #tpu.memory_space<hbm>>) target(%dma_start3A_119 : memref<128x32xf32, #tpu.memory_space<vmem>>) offsets(%dma_start3A_122 : memref<128xi32, #tpu.memory_space<vmem>>) semaphore(%dma_start3A_127 : memref<!tpu.dma_semaphore, #tpu.memory_space<semaphore_mem>>)
    %dma_start3A_128 = arith.constant 7 : i32
    %dma_start3A_129 = arith.constant 0 : i32
    %dma_start3A_130 = arith.constant 0 : i32
    %dma_start3A_131 = arith.constant 0 : i32
    %dma_start3A_132 = arith.constant 0 : i32
    %dma_start3A_133 = tpu.memref_slice %arg6[%dma_start3A_129, %dma_start3A_131, %dma_start3A_132] : memref<2x1024x32xf32, #tpu.memory_space<vmem>> -> memref<1x1024x32xf32, #tpu.memory_space<vmem>>
    %dma_start3A_134 = tpu.memref_squeeze %dma_start3A_133 : memref<1x1024x32xf32, #tpu.memory_space<vmem>> -> memref<1024x32xf32, #tpu.memory_space<vmem>>
    %dma_start3A_135 = arith.constant 896 : i32
    %dma_start3A_136 = arith.constant 0 : i32
    %dma_start3A_137 = tpu.memref_slice %dma_start3A_134[%dma_start3A_135, %dma_start3A_136] : memref<1024x32xf32, #tpu.memory_space<vmem>> -> memref<128x32xf32, #tpu.memory_space<vmem>>
    %dma_start3A_138 = arith.constant 0 : i32
    %dma_start3A_139 = tpu.memref_slice %arg5[%dma_start3A_128, %dma_start3A_138] : memref<104x128xi32, #tpu.memory_space<vmem>> -> memref<1x128xi32, #tpu.memory_space<vmem>>
    %dma_start3A_140 = tpu.memref_squeeze %dma_start3A_139 : memref<1x128xi32, #tpu.memory_space<vmem>> -> memref<128xi32, #tpu.memory_space<vmem>>
    %dma_start3A_141 = arith.constant 0 : i32
    %dma_start3A_142 = arith.constant 0 : i32
    %dma_start3A_143 = tpu.memref_slice %arg2[%dma_start3A_141, %dma_start3A_142] : memref<1000000x32xf32, #tpu.memory_space<hbm>> -> memref<1000000x32xf32, #tpu.memory_space<hbm>>
    %dma_start3A_144 = tpu.memref_slice %arg7[%dma_start3A_130] : memref<2x!tpu.dma_semaphore, #tpu.memory_space<semaphore_mem>> -> memref<1x!tpu.dma_semaphore, #tpu.memory_space<semaphore_mem>>
    %dma_start3A_145 = tpu.memref_squeeze %dma_start3A_144 : memref<1x!tpu.dma_semaphore, #tpu.memory_space<semaphore_mem>> -> memref<!tpu.dma_semaphore, #tpu.memory_space<semaphore_mem>>
    tpu.enqueue_indirect_dma source(%dma_start3A_143 : memref<1000000x32xf32, #tpu.memory_space<hbm>>) target(%dma_start3A_137 : memref<128x32xf32, #tpu.memory_space<vmem>>) offsets(%dma_start3A_140 : memref<128xi32, #tpu.memory_space<vmem>>) semaphore(%dma_start3A_145 : memref<!tpu.dma_semaphore, #tpu.memory_space<semaphore_mem>>)
    %scan3A = arith.constant 0 : i32
    %scan3A_146 = arith.constant 0 : i32
    %scan3A_147 = arith.constant 13 : i32
    %scan3A_148 = arith.addi %scan3A_146, %scan3A_147 : i32
    %scan3A_149 = arith.constant 1 : i32
    scf.for %scan3A_186 = %scan3A_146 to %scan3A_148 step %scan3A_149  : i32 {
      %rem3A = arith.constant 2 : i32
      %rem3A_187 = arith.remsi %scan3A_186, %rem3A : i32
      %sub3A = arith.constant 1 : i32
      %sub3A_188 = arith.subi %sub3A, %rem3A_187 : i32
      %add3A_189 = arith.constant 1 : i32
      %add3A_190 = arith.addi %scan3A_186, %add3A_189 : i32
      %lt3A = arith.constant 13 : i32
      %lt3A_191 = arith.cmpi slt, %add3A_190, %lt3A : i32
      %convert_element_type3A = arith.extui %lt3A_191 : i1 to i32
      %cond3A = arith.constant 0 : i32
      %cond3A_192 = arith.cmpi ne, %convert_element_type3A, %cond3A : i32
      scf.if %cond3A_192 {
        %ge3A = arith.constant 1 : i32
        %ge3A_227 = arith.cmpi sge, %scan3A_186, %ge3A : i32
        %convert_element_type3A_228 = arith.extui %ge3A_227 : i1 to i32
        %cond3A_229 = arith.constant 0 : i32
        %cond3A_230 = arith.cmpi ne, %convert_element_type3A_228, %cond3A_229 : i32
        scf.if %cond3A_230 {
          %sub3A_385 = arith.constant 1 : i32
          %sub3A_386 = arith.subi %scan3A_186, %sub3A_385 : i32
          %mul3A_387 = arith.constant 1024 : i32
          %mul3A_388 = arith.muli %sub3A_386, %mul3A_387 : i32
          %add3A_389 = arith.addi %mul3A_2, %mul3A_388 : i32
          %dma_wait3A_390 = arith.constant 0 : i32
          %dma_wait3A_391 = arith.constant 0 : i32
          %dma_wait3A_392 = tpu.memref_slice %arg6[%sub3A_188, %dma_wait3A_390, %dma_wait3A_391] : memref<2x1024x32xf32, #tpu.memory_space<vmem>> -> memref<1x1024x32xf32, #tpu.memory_space<vmem>>
          %dma_wait3A_393 = tpu.memref_squeeze %dma_wait3A_392 : memref<1x1024x32xf32, #tpu.memory_space<vmem>> -> memref<1024x32xf32, #tpu.memory_space<vmem>>
          %dma_wait3A_394 = arith.constant 0 : i32
          %dma_wait3A_395 = tpu.memref_slice %arg4[%add3A_389, %dma_wait3A_394] : memref<425984x32xf32, #tpu.memory_space<hbm>> -> memref<1024x32xf32, #tpu.memory_space<hbm>>
          %dma_wait3A_396 = tpu.memref_slice %arg8[%sub3A_188] : memref<2x!tpu.dma_semaphore, #tpu.memory_space<semaphore_mem>> -> memref<1x!tpu.dma_semaphore, #tpu.memory_space<semaphore_mem>>
          %dma_wait3A_397 = tpu.memref_squeeze %dma_wait3A_396 : memref<1x!tpu.dma_semaphore, #tpu.memory_space<semaphore_mem>> -> memref<!tpu.dma_semaphore, #tpu.memory_space<semaphore_mem>>
          %dma_wait3A_398 = arith.constant 0 : i32
          %dma_wait3A_399 = arith.constant 0 : i32
          %dma_wait3A_400 = tpu.memref_slice %arg6[%sub3A_188, %dma_wait3A_398, %dma_wait3A_399] : memref<2x1024x32xf32, #tpu.memory_space<vmem>> -> memref<1x1024x32xf32, #tpu.memory_space<vmem>>
          %dma_wait3A_401 = tpu.memref_squeeze %dma_wait3A_400 : memref<1x1024x32xf32, #tpu.memory_space<vmem>> -> memref<1024x32xf32, #tpu.memory_space<vmem>>
          %dma_wait3A_402 = arith.constant 0 : i32
          %dma_wait3A_403 = tpu.memref_slice %arg4[%add3A_389, %dma_wait3A_402] : memref<425984x32xf32, #tpu.memory_space<hbm>> -> memref<1024x32xf32, #tpu.memory_space<hbm>>
          tpu.wait_dma2 semaphore(%dma_wait3A_397 : memref<!tpu.dma_semaphore, #tpu.memory_space<semaphore_mem>>) src(%dma_wait3A_403 : memref<1024x32xf32, #tpu.memory_space<hbm>>) dst(%dma_wait3A_401 : memref<1024x32xf32, #tpu.memory_space<vmem>>)
        } else {
        }
        %add3A_231 = arith.constant 1 : i32
        %add3A_232 = arith.addi %scan3A_186, %add3A_231 : i32
        %mul3A_233 = arith.constant 8 : i32
        %mul3A_234 = arith.muli %add3A_232, %mul3A_233 : i32
        %add3A_235 = arith.constant 0 : i32
        %add3A_236 = arith.addi %mul3A_234, %add3A_235 : i32
        %dma_start3A_237 = arith.constant 0 : i32
        %dma_start3A_238 = arith.constant 0 : i32
        %dma_start3A_239 = tpu.memref_slice %arg6[%sub3A_188, %dma_start3A_237, %dma_start3A_238] : memref<2x1024x32xf32, #tpu.memory_space<vmem>> -> memref<1x1024x32xf32, #tpu.memory_space<vmem>>
        %dma_start3A_240 = tpu.memref_squeeze %dma_start3A_239 : memref<1x1024x32xf32, #tpu.memory_space<vmem>> -> memref<1024x32xf32, #tpu.memory_space<vmem>>
        %dma_start3A_241 = arith.constant 0 : i32
        %dma_start3A_242 = arith.constant 0 : i32
        %dma_start3A_243 = tpu.memref_slice %dma_start3A_240[%dma_start3A_241, %dma_start3A_242] : memref<1024x32xf32, #tpu.memory_space<vmem>> -> memref<128x32xf32, #tpu.memory_space<vmem>>
        %dma_start3A_244 = arith.constant 0 : i32
        %dma_start3A_245 = tpu.memref_slice %arg5[%add3A_236, %dma_start3A_244] : memref<104x128xi32, #tpu.memory_space<vmem>> -> memref<1x128xi32, #tpu.memory_space<vmem>>
        %dma_start3A_246 = tpu.memref_squeeze %dma_start3A_245 : memref<1x128xi32, #tpu.memory_space<vmem>> -> memref<128xi32, #tpu.memory_space<vmem>>
        %dma_start3A_247 = arith.constant 0 : i32
        %dma_start3A_248 = arith.constant 0 : i32
        %dma_start3A_249 = tpu.memref_slice %arg2[%dma_start3A_247, %dma_start3A_248] : memref<1000000x32xf32, #tpu.memory_space<hbm>> -> memref<1000000x32xf32, #tpu.memory_space<hbm>>
        %dma_start3A_250 = tpu.memref_slice %arg7[%sub3A_188] : memref<2x!tpu.dma_semaphore, #tpu.memory_space<semaphore_mem>> -> memref<1x!tpu.dma_semaphore, #tpu.memory_space<semaphore_mem>>
        %dma_start3A_251 = tpu.memref_squeeze %dma_start3A_250 : memref<1x!tpu.dma_semaphore, #tpu.memory_space<semaphore_mem>> -> memref<!tpu.dma_semaphore, #tpu.memory_space<semaphore_mem>>
        tpu.enqueue_indirect_dma source(%dma_start3A_249 : memref<1000000x32xf32, #tpu.memory_space<hbm>>) target(%dma_start3A_243 : memref<128x32xf32, #tpu.memory_space<vmem>>) offsets(%dma_start3A_246 : memref<128xi32, #tpu.memory_space<vmem>>) semaphore(%dma_start3A_251 : memref<!tpu.dma_semaphore, #tpu.memory_space<semaphore_mem>>)
        %mul3A_252 = arith.constant 8 : i32
        %mul3A_253 = arith.muli %add3A_232, %mul3A_252 : i32
        %add3A_254 = arith.constant 1 : i32
        %add3A_255 = arith.addi %mul3A_253, %add3A_254 : i32
        %dma_start3A_256 = arith.constant 0 : i32
        %dma_start3A_257 = arith.constant 0 : i32
        %dma_start3A_258 = tpu.memref_slice %arg6[%sub3A_188, %dma_start3A_256, %dma_start3A_257] : memref<2x1024x32xf32, #tpu.memory_space<vmem>> -> memref<1x1024x32xf32, #tpu.memory_space<vmem>>
        %dma_start3A_259 = tpu.memref_squeeze %dma_start3A_258 : memref<1x1024x32xf32, #tpu.memory_space<vmem>> -> memref<1024x32xf32, #tpu.memory_space<vmem>>
        %dma_start3A_260 = arith.constant 128 : i32
        %dma_start3A_261 = arith.constant 0 : i32
        %dma_start3A_262 = tpu.memref_slice %dma_start3A_259[%dma_start3A_260, %dma_start3A_261] : memref<1024x32xf32, #tpu.memory_space<vmem>> -> memref<128x32xf32, #tpu.memory_space<vmem>>
        %dma_start3A_263 = arith.constant 0 : i32
        %dma_start3A_264 = tpu.memref_slice %arg5[%add3A_255, %dma_start3A_263] : memref<104x128xi32, #tpu.memory_space<vmem>> -> memref<1x128xi32, #tpu.memory_space<vmem>>
        %dma_start3A_265 = tpu.memref_squeeze %dma_start3A_264 : memref<1x128xi32, #tpu.memory_space<vmem>> -> memref<128xi32, #tpu.memory_space<vmem>>
        %dma_start3A_266 = arith.constant 0 : i32
        %dma_start3A_267 = arith.constant 0 : i32
        %dma_start3A_268 = tpu.memref_slice %arg2[%dma_start3A_266, %dma_start3A_267] : memref<1000000x32xf32, #tpu.memory_space<hbm>> -> memref<1000000x32xf32, #tpu.memory_space<hbm>>
        %dma_start3A_269 = tpu.memref_slice %arg7[%sub3A_188] : memref<2x!tpu.dma_semaphore, #tpu.memory_space<semaphore_mem>> -> memref<1x!tpu.dma_semaphore, #tpu.memory_space<semaphore_mem>>
        %dma_start3A_270 = tpu.memref_squeeze %dma_start3A_269 : memref<1x!tpu.dma_semaphore, #tpu.memory_space<semaphore_mem>> -> memref<!tpu.dma_semaphore, #tpu.memory_space<semaphore_mem>>
        tpu.enqueue_indirect_dma source(%dma_start3A_268 : memref<1000000x32xf32, #tpu.memory_space<hbm>>) target(%dma_start3A_262 : memref<128x32xf32, #tpu.memory_space<vmem>>) offsets(%dma_start3A_265 : memref<128xi32, #tpu.memory_space<vmem>>) semaphore(%dma_start3A_270 : memref<!tpu.dma_semaphore, #tpu.memory_space<semaphore_mem>>)
        %mul3A_271 = arith.constant 8 : i32
        %mul3A_272 = arith.muli %add3A_232, %mul3A_271 : i32
        %add3A_273 = arith.constant 2 : i32
        %add3A_274 = arith.addi %mul3A_272, %add3A_273 : i32
        %dma_start3A_275 = arith.constant 0 : i32
        %dma_start3A_276 = arith.constant 0 : i32
        %dma_start3A_277 = tpu.memref_slice %arg6[%sub3A_188, %dma_start3A_275, %dma_start3A_276] : memref<2x1024x32xf32, #tpu.memory_space<vmem>> -> memref<1x1024x32xf32, #tpu.memory_space<vmem>>
        %dma_start3A_278 = tpu.memref_squeeze %dma_start3A_277 : memref<1x1024x32xf32, #tpu.memory_space<vmem>> -> memref<1024x32xf32, #tpu.memory_space<vmem>>
        %dma_start3A_279 = arith.constant 256 : i32
        %dma_start3A_280 = arith.constant 0 : i32
        %dma_start3A_281 = tpu.memref_slice %dma_start3A_278[%dma_start3A_279, %dma_start3A_280] : memref<1024x32xf32, #tpu.memory_space<vmem>> -> memref<128x32xf32, #tpu.memory_space<vmem>>
        %dma_start3A_282 = arith.constant 0 : i32
        %dma_start3A_283 = tpu.memref_slice %arg5[%add3A_274, %dma_start3A_282] : memref<104x128xi32, #tpu.memory_space<vmem>> -> memref<1x128xi32, #tpu.memory_space<vmem>>
        %dma_start3A_284 = tpu.memref_squeeze %dma_start3A_283 : memref<1x128xi32, #tpu.memory_space<vmem>> -> memref<128xi32, #tpu.memory_space<vmem>>
        %dma_start3A_285 = arith.constant 0 : i32
        %dma_start3A_286 = arith.constant 0 : i32
        %dma_start3A_287 = tpu.memref_slice %arg2[%dma_start3A_285, %dma_start3A_286] : memref<1000000x32xf32, #tpu.memory_space<hbm>> -> memref<1000000x32xf32, #tpu.memory_space<hbm>>
        %dma_start3A_288 = tpu.memref_slice %arg7[%sub3A_188] : memref<2x!tpu.dma_semaphore, #tpu.memory_space<semaphore_mem>> -> memref<1x!tpu.dma_semaphore, #tpu.memory_space<semaphore_mem>>
        %dma_start3A_289 = tpu.memref_squeeze %dma_start3A_288 : memref<1x!tpu.dma_semaphore, #tpu.memory_space<semaphore_mem>> -> memref<!tpu.dma_semaphore, #tpu.memory_space<semaphore_mem>>
        tpu.enqueue_indirect_dma source(%dma_start3A_287 : memref<1000000x32xf32, #tpu.memory_space<hbm>>) target(%dma_start3A_281 : memref<128x32xf32, #tpu.memory_space<vmem>>) offsets(%dma_start3A_284 : memref<128xi32, #tpu.memory_space<vmem>>) semaphore(%dma_start3A_289 : memref<!tpu.dma_semaphore, #tpu.memory_space<semaphore_mem>>)
        %mul3A_290 = arith.constant 8 : i32
        %mul3A_291 = arith.muli %add3A_232, %mul3A_290 : i32
        %add3A_292 = arith.constant 3 : i32
        %add3A_293 = arith.addi %mul3A_291, %add3A_292 : i32
        %dma_start3A_294 = arith.constant 0 : i32
        %dma_start3A_295 = arith.constant 0 : i32
        %dma_start3A_296 = tpu.memref_slice %arg6[%sub3A_188, %dma_start3A_294, %dma_start3A_295] : memref<2x1024x32xf32, #tpu.memory_space<vmem>> -> memref<1x1024x32xf32, #tpu.memory_space<vmem>>
        %dma_start3A_297 = tpu.memref_squeeze %dma_start3A_296 : memref<1x1024x32xf32, #tpu.memory_space<vmem>> -> memref<1024x32xf32, #tpu.memory_space<vmem>>
        %dma_start3A_298 = arith.constant 384 : i32
        %dma_start3A_299 = arith.constant 0 : i32
        %dma_start3A_300 = tpu.memref_slice %dma_start3A_297[%dma_start3A_298, %dma_start3A_299] : memref<1024x32xf32, #tpu.memory_space<vmem>> -> memref<128x32xf32, #tpu.memory_space<vmem>>
        %dma_start3A_301 = arith.constant 0 : i32
        %dma_start3A_302 = tpu.memref_slice %arg5[%add3A_293, %dma_start3A_301] : memref<104x128xi32, #tpu.memory_space<vmem>> -> memref<1x128xi32, #tpu.memory_space<vmem>>
        %dma_start3A_303 = tpu.memref_squeeze %dma_start3A_302 : memref<1x128xi32, #tpu.memory_space<vmem>> -> memref<128xi32, #tpu.memory_space<vmem>>
        %dma_start3A_304 = arith.constant 0 : i32
        %dma_start3A_305 = arith.constant 0 : i32
        %dma_start3A_306 = tpu.memref_slice %arg2[%dma_start3A_304, %dma_start3A_305] : memref<1000000x32xf32, #tpu.memory_space<hbm>> -> memref<1000000x32xf32, #tpu.memory_space<hbm>>
        %dma_start3A_307 = tpu.memref_slice %arg7[%sub3A_188] : memref<2x!tpu.dma_semaphore, #tpu.memory_space<semaphore_mem>> -> memref<1x!tpu.dma_semaphore, #tpu.memory_space<semaphore_mem>>
        %dma_start3A_308 = tpu.memref_squeeze %dma_start3A_307 : memref<1x!tpu.dma_semaphore, #tpu.memory_space<semaphore_mem>> -> memref<!tpu.dma_semaphore, #tpu.memory_space<semaphore_mem>>
        tpu.enqueue_indirect_dma source(%dma_start3A_306 : memref<1000000x32xf32, #tpu.memory_space<hbm>>) target(%dma_start3A_300 : memref<128x32xf32, #tpu.memory_space<vmem>>) offsets(%dma_start3A_303 : memref<128xi32, #tpu.memory_space<vmem>>) semaphore(%dma_start3A_308 : memref<!tpu.dma_semaphore, #tpu.memory_space<semaphore_mem>>)
        %mul3A_309 = arith.constant 8 : i32
        %mul3A_310 = arith.muli %add3A_232, %mul3A_309 : i32
        %add3A_311 = arith.constant 4 : i32
        %add3A_312 = arith.addi %mul3A_310, %add3A_311 : i32
        %dma_start3A_313 = arith.constant 0 : i32
        %dma_start3A_314 = arith.constant 0 : i32
        %dma_start3A_315 = tpu.memref_slice %arg6[%sub3A_188, %dma_start3A_313, %dma_start3A_314] : memref<2x1024x32xf32, #tpu.memory_space<vmem>> -> memref<1x1024x32xf32, #tpu.memory_space<vmem>>
        %dma_start3A_316 = tpu.memref_squeeze %dma_start3A_315 : memref<1x1024x32xf32, #tpu.memory_space<vmem>> -> memref<1024x32xf32, #tpu.memory_space<vmem>>
        %dma_start3A_317 = arith.constant 512 : i32
        %dma_start3A_318 = arith.constant 0 : i32
        %dma_start3A_319 = tpu.memref_slice %dma_start3A_316[%dma_start3A_317, %dma_start3A_318] : memref<1024x32xf32, #tpu.memory_space<vmem>> -> memref<128x32xf32, #tpu.memory_space<vmem>>
        %dma_start3A_320 = arith.constant 0 : i32
        %dma_start3A_321 = tpu.memref_slice %arg5[%add3A_312, %dma_start3A_320] : memref<104x128xi32, #tpu.memory_space<vmem>> -> memref<1x128xi32, #tpu.memory_space<vmem>>
        %dma_start3A_322 = tpu.memref_squeeze %dma_start3A_321 : memref<1x128xi32, #tpu.memory_space<vmem>> -> memref<128xi32, #tpu.memory_space<vmem>>
        %dma_start3A_323 = arith.constant 0 : i32
        %dma_start3A_324 = arith.constant 0 : i32
        %dma_start3A_325 = tpu.memref_slice %arg2[%dma_start3A_323, %dma_start3A_324] : memref<1000000x32xf32, #tpu.memory_space<hbm>> -> memref<1000000x32xf32, #tpu.memory_space<hbm>>
        %dma_start3A_326 = tpu.memref_slice %arg7[%sub3A_188] : memref<2x!tpu.dma_semaphore, #tpu.memory_space<semaphore_mem>> -> memref<1x!tpu.dma_semaphore, #tpu.memory_space<semaphore_mem>>
        %dma_start3A_327 = tpu.memref_squeeze %dma_start3A_326 : memref<1x!tpu.dma_semaphore, #tpu.memory_space<semaphore_mem>> -> memref<!tpu.dma_semaphore, #tpu.memory_space<semaphore_mem>>
        tpu.enqueue_indirect_dma source(%dma_start3A_325 : memref<1000000x32xf32, #tpu.memory_space<hbm>>) target(%dma_start3A_319 : memref<128x32xf32, #tpu.memory_space<vmem>>) offsets(%dma_start3A_322 : memref<128xi32, #tpu.memory_space<vmem>>) semaphore(%dma_start3A_327 : memref<!tpu.dma_semaphore, #tpu.memory_space<semaphore_mem>>)
        %mul3A_328 = arith.constant 8 : i32
        %mul3A_329 = arith.muli %add3A_232, %mul3A_328 : i32
        %add3A_330 = arith.constant 5 : i32
        %add3A_331 = arith.addi %mul3A_329, %add3A_330 : i32
        %dma_start3A_332 = arith.constant 0 : i32
        %dma_start3A_333 = arith.constant 0 : i32
        %dma_start3A_334 = tpu.memref_slice %arg6[%sub3A_188, %dma_start3A_332, %dma_start3A_333] : memref<2x1024x32xf32, #tpu.memory_space<vmem>> -> memref<1x1024x32xf32, #tpu.memory_space<vmem>>
        %dma_start3A_335 = tpu.memref_squeeze %dma_start3A_334 : memref<1x1024x32xf32, #tpu.memory_space<vmem>> -> memref<1024x32xf32, #tpu.memory_space<vmem>>
        %dma_start3A_336 = arith.constant 640 : i32
        %dma_start3A_337 = arith.constant 0 : i32
        %dma_start3A_338 = tpu.memref_slice %dma_start3A_335[%dma_start3A_336, %dma_start3A_337] : memref<1024x32xf32, #tpu.memory_space<vmem>> -> memref<128x32xf32, #tpu.memory_space<vmem>>
        %dma_start3A_339 = arith.constant 0 : i32
        %dma_start3A_340 = tpu.memref_slice %arg5[%add3A_331, %dma_start3A_339] : memref<104x128xi32, #tpu.memory_space<vmem>> -> memref<1x128xi32, #tpu.memory_space<vmem>>
        %dma_start3A_341 = tpu.memref_squeeze %dma_start3A_340 : memref<1x128xi32, #tpu.memory_space<vmem>> -> memref<128xi32, #tpu.memory_space<vmem>>
        %dma_start3A_342 = arith.constant 0 : i32
        %dma_start3A_343 = arith.constant 0 : i32
        %dma_start3A_344 = tpu.memref_slice %arg2[%dma_start3A_342, %dma_start3A_343] : memref<1000000x32xf32, #tpu.memory_space<hbm>> -> memref<1000000x32xf32, #tpu.memory_space<hbm>>
        %dma_start3A_345 = tpu.memref_slice %arg7[%sub3A_188] : memref<2x!tpu.dma_semaphore, #tpu.memory_space<semaphore_mem>> -> memref<1x!tpu.dma_semaphore, #tpu.memory_space<semaphore_mem>>
        %dma_start3A_346 = tpu.memref_squeeze %dma_start3A_345 : memref<1x!tpu.dma_semaphore, #tpu.memory_space<semaphore_mem>> -> memref<!tpu.dma_semaphore, #tpu.memory_space<semaphore_mem>>
        tpu.enqueue_indirect_dma source(%dma_start3A_344 : memref<1000000x32xf32, #tpu.memory_space<hbm>>) target(%dma_start3A_338 : memref<128x32xf32, #tpu.memory_space<vmem>>) offsets(%dma_start3A_341 : memref<128xi32, #tpu.memory_space<vmem>>) semaphore(%dma_start3A_346 : memref<!tpu.dma_semaphore, #tpu.memory_space<semaphore_mem>>)
        %mul3A_347 = arith.constant 8 : i32
        %mul3A_348 = arith.muli %add3A_232, %mul3A_347 : i32
        %add3A_349 = arith.constant 6 : i32
        %add3A_350 = arith.addi %mul3A_348, %add3A_349 : i32
        %dma_start3A_351 = arith.constant 0 : i32
        %dma_start3A_352 = arith.constant 0 : i32
        %dma_start3A_353 = tpu.memref_slice %arg6[%sub3A_188, %dma_start3A_351, %dma_start3A_352] : memref<2x1024x32xf32, #tpu.memory_space<vmem>> -> memref<1x1024x32xf32, #tpu.memory_space<vmem>>
        %dma_start3A_354 = tpu.memref_squeeze %dma_start3A_353 : memref<1x1024x32xf32, #tpu.memory_space<vmem>> -> memref<1024x32xf32, #tpu.memory_space<vmem>>
        %dma_start3A_355 = arith.constant 768 : i32
        %dma_start3A_356 = arith.constant 0 : i32
        %dma_start3A_357 = tpu.memref_slice %dma_start3A_354[%dma_start3A_355, %dma_start3A_356] : memref<1024x32xf32, #tpu.memory_space<vmem>> -> memref<128x32xf32, #tpu.memory_space<vmem>>
        %dma_start3A_358 = arith.constant 0 : i32
        %dma_start3A_359 = tpu.memref_slice %arg5[%add3A_350, %dma_start3A_358] : memref<104x128xi32, #tpu.memory_space<vmem>> -> memref<1x128xi32, #tpu.memory_space<vmem>>
        %dma_start3A_360 = tpu.memref_squeeze %dma_start3A_359 : memref<1x128xi32, #tpu.memory_space<vmem>> -> memref<128xi32, #tpu.memory_space<vmem>>
        %dma_start3A_361 = arith.constant 0 : i32
        %dma_start3A_362 = arith.constant 0 : i32
        %dma_start3A_363 = tpu.memref_slice %arg2[%dma_start3A_361, %dma_start3A_362] : memref<1000000x32xf32, #tpu.memory_space<hbm>> -> memref<1000000x32xf32, #tpu.memory_space<hbm>>
        %dma_start3A_364 = tpu.memref_slice %arg7[%sub3A_188] : memref<2x!tpu.dma_semaphore, #tpu.memory_space<semaphore_mem>> -> memref<1x!tpu.dma_semaphore, #tpu.memory_space<semaphore_mem>>
        %dma_start3A_365 = tpu.memref_squeeze %dma_start3A_364 : memref<1x!tpu.dma_semaphore, #tpu.memory_space<semaphore_mem>> -> memref<!tpu.dma_semaphore, #tpu.memory_space<semaphore_mem>>
        tpu.enqueue_indirect_dma source(%dma_start3A_363 : memref<1000000x32xf32, #tpu.memory_space<hbm>>) target(%dma_start3A_357 : memref<128x32xf32, #tpu.memory_space<vmem>>) offsets(%dma_start3A_360 : memref<128xi32, #tpu.memory_space<vmem>>) semaphore(%dma_start3A_365 : memref<!tpu.dma_semaphore, #tpu.memory_space<semaphore_mem>>)
        %mul3A_366 = arith.constant 8 : i32
        %mul3A_367 = arith.muli %add3A_232, %mul3A_366 : i32
        %add3A_368 = arith.constant 7 : i32
        %add3A_369 = arith.addi %mul3A_367, %add3A_368 : i32
        %dma_start3A_370 = arith.constant 0 : i32
        %dma_start3A_371 = arith.constant 0 : i32
        %dma_start3A_372 = tpu.memref_slice %arg6[%sub3A_188, %dma_start3A_370, %dma_start3A_371] : memref<2x1024x32xf32, #tpu.memory_space<vmem>> -> memref<1x1024x32xf32, #tpu.memory_space<vmem>>
        %dma_start3A_373 = tpu.memref_squeeze %dma_start3A_372 : memref<1x1024x32xf32, #tpu.memory_space<vmem>> -> memref<1024x32xf32, #tpu.memory_space<vmem>>
        %dma_start3A_374 = arith.constant 896 : i32
        %dma_start3A_375 = arith.constant 0 : i32
        %dma_start3A_376 = tpu.memref_slice %dma_start3A_373[%dma_start3A_374, %dma_start3A_375] : memref<1024x32xf32, #tpu.memory_space<vmem>> -> memref<128x32xf32, #tpu.memory_space<vmem>>
        %dma_start3A_377 = arith.constant 0 : i32
        %dma_start3A_378 = tpu.memref_slice %arg5[%add3A_369, %dma_start3A_377] : memref<104x128xi32, #tpu.memory_space<vmem>> -> memref<1x128xi32, #tpu.memory_space<vmem>>
        %dma_start3A_379 = tpu.memref_squeeze %dma_start3A_378 : memref<1x128xi32, #tpu.memory_space<vmem>> -> memref<128xi32, #tpu.memory_space<vmem>>
        %dma_start3A_380 = arith.constant 0 : i32
        %dma_start3A_381 = arith.constant 0 : i32
        %dma_start3A_382 = tpu.memref_slice %arg2[%dma_start3A_380, %dma_start3A_381] : memref<1000000x32xf32, #tpu.memory_space<hbm>> -> memref<1000000x32xf32, #tpu.memory_space<hbm>>
        %dma_start3A_383 = tpu.memref_slice %arg7[%sub3A_188] : memref<2x!tpu.dma_semaphore, #tpu.memory_space<semaphore_mem>> -> memref<1x!tpu.dma_semaphore, #tpu.memory_space<semaphore_mem>>
        %dma_start3A_384 = tpu.memref_squeeze %dma_start3A_383 : memref<1x!tpu.dma_semaphore, #tpu.memory_space<semaphore_mem>> -> memref<!tpu.dma_semaphore, #tpu.memory_space<semaphore_mem>>
        tpu.enqueue_indirect_dma source(%dma_start3A_382 : memref<1000000x32xf32, #tpu.memory_space<hbm>>) target(%dma_start3A_376 : memref<128x32xf32, #tpu.memory_space<vmem>>) offsets(%dma_start3A_379 : memref<128xi32, #tpu.memory_space<vmem>>) semaphore(%dma_start3A_384 : memref<!tpu.dma_semaphore, #tpu.memory_space<semaphore_mem>>)
      } else {
      }
      %mul3A_193 = arith.constant 1024 : i32
      %mul3A_194 = arith.muli %scan3A_186, %mul3A_193 : i32
      %add3A_195 = arith.addi %mul3A_2, %mul3A_194 : i32
      %dma_wait3A_196 = arith.constant 0 : i32
      %dma_wait3A_197 = arith.constant 0 : i32
      %dma_wait3A_198 = tpu.memref_slice %arg6[%rem3A_187, %dma_wait3A_196, %dma_wait3A_197] : memref<2x1024x32xf32, #tpu.memory_space<vmem>> -> memref<1x1024x32xf32, #tpu.memory_space<vmem>>
      %dma_wait3A_199 = tpu.memref_squeeze %dma_wait3A_198 : memref<1x1024x32xf32, #tpu.memory_space<vmem>> -> memref<1024x32xf32, #tpu.memory_space<vmem>>
      %dma_wait3A_200 = arith.constant 0 : i32
      %dma_wait3A_201 = tpu.memref_slice %arg4[%add3A_195, %dma_wait3A_200] : memref<425984x32xf32, #tpu.memory_space<hbm>> -> memref<1024x32xf32, #tpu.memory_space<hbm>>
      %dma_wait3A_202 = tpu.memref_slice %arg7[%rem3A_187] : memref<2x!tpu.dma_semaphore, #tpu.memory_space<semaphore_mem>> -> memref<1x!tpu.dma_semaphore, #tpu.memory_space<semaphore_mem>>
      %dma_wait3A_203 = tpu.memref_squeeze %dma_wait3A_202 : memref<1x!tpu.dma_semaphore, #tpu.memory_space<semaphore_mem>> -> memref<!tpu.dma_semaphore, #tpu.memory_space<semaphore_mem>>
      %dma_wait3A_204 = arith.constant 0 : i32
      %dma_wait3A_205 = arith.constant 0 : i32
      %dma_wait3A_206 = tpu.memref_slice %arg6[%rem3A_187, %dma_wait3A_204, %dma_wait3A_205] : memref<2x1024x32xf32, #tpu.memory_space<vmem>> -> memref<1x1024x32xf32, #tpu.memory_space<vmem>>
      %dma_wait3A_207 = tpu.memref_squeeze %dma_wait3A_206 : memref<1x1024x32xf32, #tpu.memory_space<vmem>> -> memref<1024x32xf32, #tpu.memory_space<vmem>>
      %dma_wait3A_208 = arith.constant 0 : i32
      %dma_wait3A_209 = tpu.memref_slice %arg4[%add3A_195, %dma_wait3A_208] : memref<425984x32xf32, #tpu.memory_space<hbm>> -> memref<1024x32xf32, #tpu.memory_space<hbm>>
      tpu.wait_dma2 semaphore(%dma_wait3A_203 : memref<!tpu.dma_semaphore, #tpu.memory_space<semaphore_mem>>) src(%dma_wait3A_209 : memref<1024x32xf32, #tpu.memory_space<hbm>>) dst(%dma_wait3A_207 : memref<1024x32xf32, #tpu.memory_space<vmem>>)
      %mul3A_210 = arith.constant 1024 : i32
      %mul3A_211 = arith.muli %scan3A_186, %mul3A_210 : i32
      %add3A_212 = arith.addi %mul3A_2, %mul3A_211 : i32
      %dma_start3A_213 = arith.constant 0 : i32
      %dma_start3A_214 = arith.constant 0 : i32
      %dma_start3A_215 = tpu.memref_slice %arg6[%rem3A_187, %dma_start3A_213, %dma_start3A_214] : memref<2x1024x32xf32, #tpu.memory_space<vmem>> -> memref<1x1024x32xf32, #tpu.memory_space<vmem>>
      %dma_start3A_216 = tpu.memref_squeeze %dma_start3A_215 : memref<1x1024x32xf32, #tpu.memory_space<vmem>> -> memref<1024x32xf32, #tpu.memory_space<vmem>>
      %dma_start3A_217 = arith.constant 0 : i32
      %dma_start3A_218 = tpu.memref_slice %arg4[%add3A_212, %dma_start3A_217] : memref<425984x32xf32, #tpu.memory_space<hbm>> -> memref<1024x32xf32, #tpu.memory_space<hbm>>
      %dma_start3A_219 = tpu.memref_slice %arg8[%rem3A_187] : memref<2x!tpu.dma_semaphore, #tpu.memory_space<semaphore_mem>> -> memref<1x!tpu.dma_semaphore, #tpu.memory_space<semaphore_mem>>
      %dma_start3A_220 = tpu.memref_squeeze %dma_start3A_219 : memref<1x!tpu.dma_semaphore, #tpu.memory_space<semaphore_mem>> -> memref<!tpu.dma_semaphore, #tpu.memory_space<semaphore_mem>>
      %dma_start3A_221 = arith.constant 0 : i32
      %dma_start3A_222 = tpu.memref_slice %arg4[%add3A_212, %dma_start3A_221] : memref<425984x32xf32, #tpu.memory_space<hbm>> -> memref<1024x32xf32, #tpu.memory_space<hbm>>
      %dma_start3A_223 = arith.constant 0 : i32
      %dma_start3A_224 = arith.constant 0 : i32
      %dma_start3A_225 = tpu.memref_slice %arg6[%rem3A_187, %dma_start3A_223, %dma_start3A_224] : memref<2x1024x32xf32, #tpu.memory_space<vmem>> -> memref<1x1024x32xf32, #tpu.memory_space<vmem>>
      %dma_start3A_226 = tpu.memref_squeeze %dma_start3A_225 : memref<1x1024x32xf32, #tpu.memory_space<vmem>> -> memref<1024x32xf32, #tpu.memory_space<vmem>>
      tpu.enqueue_dma source(%dma_start3A_226 : memref<1024x32xf32, #tpu.memory_space<vmem>>) target(%dma_start3A_222 : memref<1024x32xf32, #tpu.memory_space<hbm>>) target_semaphore(%dma_start3A_220 : memref<!tpu.dma_semaphore, #tpu.memory_space<semaphore_mem>>)
    }
    %scan3A_150 = arith.constant 13 : i32
    %add3A_151 = arith.constant 11264 : i32
    %add3A_152 = arith.addi %mul3A_2, %add3A_151 : i32
    %dma_wait3A = arith.constant 1 : i32
    %dma_wait3A_153 = arith.constant 1 : i32
    %dma_wait3A_154 = arith.constant 0 : i32
    %dma_wait3A_155 = arith.constant 0 : i32
    %dma_wait3A_156 = tpu.memref_slice %arg6[%dma_wait3A, %dma_wait3A_154, %dma_wait3A_155] : memref<2x1024x32xf32, #tpu.memory_space<vmem>> -> memref<1x1024x32xf32, #tpu.memory_space<vmem>>
    %dma_wait3A_157 = tpu.memref_squeeze %dma_wait3A_156 : memref<1x1024x32xf32, #tpu.memory_space<vmem>> -> memref<1024x32xf32, #tpu.memory_space<vmem>>
    %dma_wait3A_158 = arith.constant 0 : i32
    %dma_wait3A_159 = tpu.memref_slice %arg4[%add3A_152, %dma_wait3A_158] : memref<425984x32xf32, #tpu.memory_space<hbm>> -> memref<1024x32xf32, #tpu.memory_space<hbm>>
    %dma_wait3A_160 = tpu.memref_slice %arg8[%dma_wait3A_153] : memref<2x!tpu.dma_semaphore, #tpu.memory_space<semaphore_mem>> -> memref<1x!tpu.dma_semaphore, #tpu.memory_space<semaphore_mem>>
    %dma_wait3A_161 = tpu.memref_squeeze %dma_wait3A_160 : memref<1x!tpu.dma_semaphore, #tpu.memory_space<semaphore_mem>> -> memref<!tpu.dma_semaphore, #tpu.memory_space<semaphore_mem>>
    %dma_wait3A_162 = arith.constant 0 : i32
    %dma_wait3A_163 = arith.constant 0 : i32
    %dma_wait3A_164 = tpu.memref_slice %arg6[%dma_wait3A, %dma_wait3A_162, %dma_wait3A_163] : memref<2x1024x32xf32, #tpu.memory_space<vmem>> -> memref<1x1024x32xf32, #tpu.memory_space<vmem>>
    %dma_wait3A_165 = tpu.memref_squeeze %dma_wait3A_164 : memref<1x1024x32xf32, #tpu.memory_space<vmem>> -> memref<1024x32xf32, #tpu.memory_space<vmem>>
    %dma_wait3A_166 = arith.constant 0 : i32
    %dma_wait3A_167 = tpu.memref_slice %arg4[%add3A_152, %dma_wait3A_166] : memref<425984x32xf32, #tpu.memory_space<hbm>> -> memref<1024x32xf32, #tpu.memory_space<hbm>>
    tpu.wait_dma2 semaphore(%dma_wait3A_161 : memref<!tpu.dma_semaphore, #tpu.memory_space<semaphore_mem>>) src(%dma_wait3A_167 : memref<1024x32xf32, #tpu.memory_space<hbm>>) dst(%dma_wait3A_165 : memref<1024x32xf32, #tpu.memory_space<vmem>>)
    %add3A_168 = arith.constant 12288 : i32
    %add3A_169 = arith.addi %mul3A_2, %add3A_168 : i32
    %dma_wait3A_170 = arith.constant 0 : i32
    %dma_wait3A_171 = arith.constant 0 : i32
    %dma_wait3A_172 = arith.constant 0 : i32
    %dma_wait3A_173 = arith.constant 0 : i32
    %dma_wait3A_174 = tpu.memref_slice %arg6[%dma_wait3A_170, %dma_wait3A_172, %dma_wait3A_173] : memref<2x1024x32xf32, #tpu.memory_space<vmem>> -> memref<1x1024x32xf32, #tpu.memory_space<vmem>>
    %dma_wait3A_175 = tpu.memref_squeeze %dma_wait3A_174 : memref<1x1024x32xf32, #tpu.memory_space<vmem>> -> memref<1024x32xf32, #tpu.memory_space<vmem>>
    %dma_wait3A_176 = arith.constant 0 : i32
    %dma_wait3A_177 = tpu.memref_slice %arg4[%add3A_169, %dma_wait3A_176] : memref<425984x32xf32, #tpu.memory_space<hbm>> -> memref<1024x32xf32, #tpu.memory_space<hbm>>
    %dma_wait3A_178 = tpu.memref_slice %arg8[%dma_wait3A_171] : memref<2x!tpu.dma_semaphore, #tpu.memory_space<semaphore_mem>> -> memref<1x!tpu.dma_semaphore, #tpu.memory_space<semaphore_mem>>
    %dma_wait3A_179 = tpu.memref_squeeze %dma_wait3A_178 : memref<1x!tpu.dma_semaphore, #tpu.memory_space<semaphore_mem>> -> memref<!tpu.dma_semaphore, #tpu.memory_space<semaphore_mem>>
    %dma_wait3A_180 = arith.constant 0 : i32
    %dma_wait3A_181 = arith.constant 0 : i32
    %dma_wait3A_182 = tpu.memref_slice %arg6[%dma_wait3A_170, %dma_wait3A_180, %dma_wait3A_181] : memref<2x1024x32xf32, #tpu.memory_space<vmem>> -> memref<1x1024x32xf32, #tpu.memory_space<vmem>>
    %dma_wait3A_183 = tpu.memref_squeeze %dma_wait3A_182 : memref<1x1024x32xf32, #tpu.memory_space<vmem>> -> memref<1024x32xf32, #tpu.memory_space<vmem>>
    %dma_wait3A_184 = arith.constant 0 : i32
    %dma_wait3A_185 = tpu.memref_slice %arg4[%add3A_169, %dma_wait3A_184] : memref<425984x32xf32, #tpu.memory_space<hbm>> -> memref<1024x32xf32, #tpu.memory_space<hbm>>
    tpu.wait_dma2 semaphore(%dma_wait3A_179 : memref<!tpu.dma_semaphore, #tpu.memory_space<semaphore_mem>>) src(%dma_wait3A_185 : memref<1024x32xf32, #tpu.memory_space<hbm>>) dst(%dma_wait3A_183 : memref<1024x32xf32, #tpu.memory_space<vmem>>)
    return
  }
}

</mosaic_0001>

<sc_bundles>
// kernel: kernel.3.cloned.1.call-start
scs
__scs_entry_jumppad:
0x0: {  	(pc) =	sbr.rel $0x88, $3  }
0x1: {  	(tag) =	ssettag $0x0;
	lr =	simm.s32 $0x1  }
0x2: {  	[smem:$0x3F9F] =	sst lr;
	_ =	strace $0xD0000000  }
0x3: {  	_ = 	snop  }
0x4: {  	_ = 	snop  }
0x5: {  	_ = 	snop  }
0x6: {  	_ = 	snop  }
0x7: {  	_ = 	snop  }
__scs_overlays_trampoline_lowered:
0x8: {  	[smem:$0x3FAE] =	sst s0  }
0x9: {  	[smem:$0x3FAF] =	sst s1  }
0xa: {  	[smem:$0x3FB0] =	sst s2  }
0xb: {  	[smem:$0x3FB1] =	sst s3  }
0xc: {  	[smem:$0x3FB2] =	sst s4  }
0xd: {  	[smem:$0x3FB3] =	sst s5  }
0xe: {  	[smem:$0x3FB4] =	sst s6  }
0xf: {  	[smem:$0x3FB5] =	sst s7  }
0x10: {  	[smem:$0x3FB6] =	sst s8  }
0x11: {  	[smem:$0x3FB7] =	sst s9;
	s0 =	simm.s32 @!p0 $0x0  }
0x12: {  	s1 =	sld [smem:$0x3F9D];
	s0 =	simm.s32 @p0 $0x1  }
0x13: {  	[smem:$0x3FB8] =	sst s0;
	s0 =	simm.s32 @!p1 $0x0  }
0x14: {  	s2 =	sld [smem:$0x3F9C];
	s0 =	simm.s32 @p1 $0x1  }
0x15: {  	[smem:$0x3FB9] =	sst s0;
	s0 =	simm.s32 @!p2 $0x0  }
0x16: {  	s3 =	sld [smem:$0x3FDB];
	s0 =	simm.s32 @p2 $0x1  }
0x17: {  	s4 =	simm.s32 $0x1BF5;
	[smem:$0x3FBB] =	sst s0  }
0x18: {  	s0 =	sld [smem:$0x3F9E];
	_ =	swait.ge [sflag:s4], $0x0  }
0x19: {  	s7 =	sld [smem:$0x3F9F]  }
0x1a: {  	s8 =	sadd.s32 $0xFFFFE003, lr  }
0x1b: {  	s9 =	sadd.s32 $0xFFFFFEF7, lr;
	s5 =	simm.s32 $0xFFFFFFFF;
	p2 =	slt.u32 s8, $0xFFFFF086  }
0x1c: {  	p1 =	slt.u32 s9, $0xF7A;
	s5 =	simm.s32 @!p2 $0x0  }
0x1d: {  	s5 =	simm.s32 @p1 $0x1;
	p0 =	seq.s32 s7, s2  }
0x1e: {  	s7 =	smul.u32 @!p0 $0xF7A, s2;
	p2 =	seq.s32 @!p0 s5, $0x0  }
0x1f: {  	s9 =	smul.u32 $0xF7A, s1;
	s8 =	simm.s32 @!p0 $0x1BF5;
	p2 =	por !p2, p0  }
0x20: {  	[sflag:s8] =	ssyncset.s32 @!p0 $0xFFFFF086;
	s6 =	sadd.s32 @!p0 s3, s7;
	s7 =	simm.s32 @!p0 $0x108  }
0x21: {  	s3 =	sadd.s32 s3, s9;
	s6 =	sadd.s32 @!p0 $0x88, s6;
	s7 =	simm.s32 @p2 $0x1082  }
0x22: {  	[simem:s7], [sflag:s8] =	dma.local @!p0 [hbm:s6], $0xF7A  }
0x23: {  	s9 =	sor.u32 $0xD0000000, s2;
	s6 =	simm.s32 $0x108;
	_ =	swait.ge @!p0 [sflag:s8], $0x0  }
0x24: {  	s3 =	sadd.s32 $0x88, s3;
	s6 =	simm.s32 @!p1 $0x1082;
	[sflag:s4] =	ssyncset.s32 $0xFFFFF086  }
0x25: {  	[simem:s6], [sflag:s4] =	dma.local [hbm:s3], $0xF7A  }
0x26: {  	[smem:$0x3F9F] =	sst s1;
	(tag) =	ssettag s2;
	_ =	strace s9  }
0x27: {  	s1 =	sld [smem:$0x3FAF]  }
0x28: {  	s2 =	sld [smem:$0x3FB0]  }
0x29: {  	s4 =	sld [smem:$0x3FB2]  }
0x2a: {  	p0 =	seq.s32 s5, $0x0;
	s5 =	sld [smem:$0x3FB3]  }
0x2b: {  	s6 =	sld [smem:$0x3FB4]  }
0x2c: {  	s7 =	sld [smem:$0x3FB5]  }
0x2d: {  	s3 =	simm.s32 $0x108;
	s8 =	sld [smem:$0x3FB6]  }
0x2e: {  	s3 =	simm.s32 @!p0 $0x1082;
	s9 =	sld [smem:$0x3FB7]  }
0x2f: {  	lr =	sadd.s32 s0, s3;
	s0 =	sld [smem:$0x3FAE]  }
0x30: {  	s3 =	sld [smem:$0x3FB1]  }
0x31: {  	[smem:$0x3FBA] =	sst s10  }
0x32: {  	s10 =	sld [smem:$0x3FB8];
	_ =	sdelay $0x3  }
0x33: {  	p0 =	seq.s32 s10, $0x1;
	s10 =	sld [smem:$0x3FBA];
	_ =	sdelay $0x3  }
0x34: {  	[smem:$0x3FBA] =	sst s10  }
0x35: {  	s10 =	sld [smem:$0x3FB9];
	_ =	sdelay $0x3  }
0x36: {  	p1 =	seq.s32 s10, $0x1;
	s10 =	sld [smem:$0x3FBA];
	_ =	sdelay $0x3  }
0x37: {  	[smem:$0x3FBA] =	sst s10  }
0x38: {  	s10 =	sld [smem:$0x3FBB]  }
0x39: {  	_ = 	snop;
	(pc) =	sbr.ind lr, $3  }
0x3a: {  	_ = 	snop  }
0x3b: {  	_ = 	snop  }
0x3c: {  	p2 =	seq.s32 s10, $0x1;
	s10 =	sld [smem:$0x3FBA]  }
0x3d: {  	_ =	shalt  }
0x3e: {  	_ =	shalt  }
0x3f: {  	_ =	shalt  }
0x40: {  	_ =	shalt  }
0x41: {  	_ =	shalt  }
0x42: {  	_ =	shalt  }
0x43: {  	_ =	shalt  }
0x44: {  	_ =	shalt  }
0x45: {  	_ =	shalt  }
0x46: {  	_ =	shalt  }
0x47: {  	_ =	shalt  }
0x48: {  	_ =	shalt  }
0x49: {  	_ =	shalt  }
0x4a: {  	_ =	shalt  }
0x4b: {  	_ =	shalt  }
0x4c: {  	_ =	shalt  }
0x4d: {  	_ =	shalt  }
0x4e: {  	_ =	shalt  }
0x4f: {  	_ =	shalt  }
0x50: {  	_ =	shalt  }
0x51: {  	_ =	shalt  }
0x52: {  	_ =	shalt  }
0x53: {  	_ =	shalt  }
0x54: {  	_ =	shalt  }
0x55: {  	_ =	shalt  }
0x56: {  	_ =	shalt  }
0x57: {  	_ =	shalt  }
0x58: {  	_ =	shalt  }
0x59: {  	_ =	shalt  }
0x5a: {  	_ =	shalt  }
0x5b: {  	_ =	shalt  }
0x5c: {  	_ =	shalt  }
0x5d: {  	_ =	shalt  }
0x5e: {  	_ =	shalt  }
0x5f: {  	_ =	shalt  }
0x60: {  	_ =	shalt  }
0x61: {  	_ =	shalt  }
0x62: {  	_ =	shalt  }
0x63: {  	_ =	shalt  }
0x64: {  	_ =	shalt  }
0x65: {  	_ =	shalt  }
0x66: {  	_ =	shalt  }
0x67: {  	_ =	shalt  }
0x68: {  	_ =	shalt  }
0x69: {  	_ =	shalt  }
0x6a: {  	_ =	shalt  }
0x6b: {  	_ =	shalt  }
0x6c: {  	_ =	shalt  }
0x6d: {  	_ =	shalt  }
0x6e: {  	_ =	shalt  }
0x6f: {  	_ =	shalt  }
0x70: {  	_ =	shalt  }
0x71: {  	_ =	shalt  }
0x72: {  	_ =	shalt  }
0x73: {  	_ =	shalt  }
0x74: {  	_ =	shalt  }
0x75: {  	_ =	shalt  }
0x76: {  	_ =	shalt  }
0x77: {  	_ =	shalt  }
0x78: {  	_ =	shalt  }
0x79: {  	_ =	shalt  }
0x7a: {  	_ =	shalt  }
0x7b: {  	_ =	shalt  }
0x7c: {  	_ =	shalt  }
0x7d: {  	_ =	shalt  }
0x7e: {  	_ =	shalt  }
0x7f: {  	_ =	shalt  }
0x80: {  	_ =	shalt  }
0x81: {  	_ =	shalt  }
0x82: {  	_ =	shalt  }
0x83: {  	_ =	shalt  }
0x84: {  	_ =	shalt  }
0x85: {  	_ =	shalt  }
0x86: {  	_ =	shalt  }
0x87: {  	_ =	shalt  }
.Lfunc_end0:
.L_simem_size_0:
called_computation.1_lowered:
.L_overlay_start_0:
0x88: {  	s2 =	sld [smem:$0x3FD9]  }
0x89: {  	s3 =	sld [smem:$0x3FFE];
	_ =	sdelay $0x1  }
0x8a: {  	s1 =	srdreg.scid  }
0x8b: {  	s0 =	sand.u32 $0x1, s1  }
0x8c: {  	s17 =	sshll.u32 s0, $0xA;
	s2 =	sadd.s32 s3, s2  }
0x8d: {  	s2 =	sadd.s32 s2, s17  }
0x8e: {  	[smem:$0x3FC6] =	sst s2  }
0x8f: {  	_ = 	snop  }
0x90: {  	s2 =	sld [smem:$0x3FD0];
	(tm) =	ssettm $0x1  }
0x91: {  	s18 =	sld [smem:$0x3FFB];
	_ =	sdelay $0x3  }
0x92: {  	_ =	strace s18  }
0x93: {  	s3 =	sld [smem:$0x3FFC];
	_ =	sdelay $0x3  }
0x94: {  	_ =	strace s3  }
0x95: {  	s3 =	sld [smem:$0x3FFD];
	_ =	sdelay $0x3  }
0x96: {  	_ =	strace s3  }
0x97: {  	_ =	strace $0x8FFFFFFF  }
0x98: {  	s19 =	sld [smem:$0x3FDB];
	_ =	sdelay $0x1  }
0x99: {  	s4 =	simm.s32 $_scs_section_size  }
0x9a: {  	s5 =	simm.s32 $_size__tile_overlayer_lowered;
	s6 =	simm.s32 $_tile_overlayer_lowered  }
0x9b: {  	s22 =	simm.s32 $0x1BFF;
	s21 =	sshll.u32 s6, $0x1;
	s3 =	sadd.s32 s4, s19  }
0x9c: {  	s7 =	simm.s32 $0x0;
	s20 =	sshll.u32 s5, $0x1;
	s5 =	sadd.s32 s21, s3  }
0x9d: {  	[timem:s7], [sflag:s22] =	dma.local [hbm:s5], s20  }
0x9e: {  	_ =	swait.ge [sflag:s22], s20  }
0x9f: {  	s4 =	ssub.s32 $0x0, s20;
	[sflag:s22] =	ssyncset.done $0x0  }
0xa0: {  	[sflag:s22] =	ssyncadd.s32 s4;
	_ =	sdelay $0x1  }
0xa1: {  	s23 =	simm.s32 $0x1B8B  }
0xa2: {  	_ =	swait.ge [sflag:s23], $0x1  }
0xa3: {  	[sflag:s23] =	ssyncset.done $0x0  }
0xa4: {  	s25 =	simm.s32 $0x1B8E;
	s24 =	sld [smem:$0x3FFE];
	[sflag:s23] =	ssyncadd.s32 $0xFFFFFFFF  }
0xa5: {  	s26 =	simm.s32 $execute0_lowered;
	[smem:$0x3FD2] =	sst s25  }
0xa6: {  	s5 =	sshll.u32 s26, $0x1;
	_ =	strace $0x80000046;
	[dreg:$0x1] =	wrdreg $0xFFFFFFFF  }
0xa7: {  	s28 =	simm.s32 $_size_execute0_lowered;
	s3 =	sadd.s32 s3, s5;
	[dreg:$0x0] =	wrdreg $0x0  }
0xa8: {  	s5 =	sshll.u32 s28, $0x1;
	[dreg:$0x2] =	wrdreg s3  }
0xa9: {  	[dreg:$0x3] =	wrdreg s5  }
0xaa: {  	[dreg:$0x4] =	wrdreg $0xC0  }
0xab: {  	_ =	task [dreg:s7], $0x5FFFF  }
0xac: {  	[dreg:$0x1] =	wrdreg $0xFFFFFFFF  }
0xad: {  	[dreg:$0x0] =	wrdreg $0x60  }
0xae: {  	[dreg:$0x2] =	wrdreg s24  }
0xaf: {  	[dreg:$0x3] =	wrdreg s2  }
0xb0: {  	[dreg:$0x4] =	wrdreg $0x9  }
0xb1: {  	_ =	task.clear_ibuf [dreg:s7], $0x5FFFF;
	_ =	strace $0x90000046  }
0xb2: {  	s29 =	simm.s32 $0x9;
	_ =	strace $0x80000048  }
0xb3: {  	_ =	swait.ge [sflag:s29], $0x1  }
0xb4: {  	[sflag:s29] =	ssyncadd.s32 $0xFFFFFFFF  }
0xb5: {  	_ =	strace $0x90000048  }
0xb6: {  	_ =	sfence  }
0xb7: {  	s30 =	sld [smem:$0x0];
	_ =	sdelay $0x2  }
0xb8: {  	s31 =	sshll.u32 s1, $0xD;
	s1 =	sshrl.u32 s1, $0x2  }
0xb9: {  	s3 =	sand.u32 $0x4000, s31;
	s1 =	sadd.s32 s1, s30  }
0xba: {  	s0 =	sor.u32 s3, s0;
	s1 =	sshll.u32 s1, $0x11  }
0xbb: {  	s0 =	sor.u32 s1, s0  }
0xbc: {  	s0 =	sadd.s32 $0x8F2B, s0  }
0xbd: {  	[sflag:s0] =	ssyncadd.remote.s32 $0x1  }
0xbe: {  	_ =	sfence.sel $0xFFFF  }
0xbf: {  	[dreg:$0x0] =	wrdreg $0xFFFFFFFF;
	(pc) =	sbr.abs _section_cstart, $3  }
0xc0: {  	[dreg:$0x1] =	wrdreg $0xFFFFFFFF  }
0xc1: {  	_ =	task.clear_ibuf [dreg:s7], $0x2FFFF;
	_ =	strace $0x9FFFFFFF  }
0xc2: {  	(tm) =	ssettm $0x7FFFFFFF  }
0xc3: {  	_ =	shalt  }
tec
execute0_lowered:
.L_overlay_start_1:
0x0: {  	(tag) =	ssettag $0x1  }
0x1: {  	s1 =	srdreg.scid  }
0x2: {  	s0 =	stileid.u32;
	s5 =	rddreg [dreg:$0x0]  }
0x3: {  	s6 =	rddreg [dreg:$0x1];
	s2 =	simm.s32 $0x0;
	s10 =	simm.s32 $0x4400  }
0x4: {  	s11 =	simm.s32 $0x100;
	s12 =	simm.s32 $0x5400;
	s13 =	simm.s32 $0x180  }
0x5: {  	s14 =	simm.s32 $0x6400;
	s15 =	simm.s32 $0x200;
	s16 =	simm.s32 $0x7400  }
0x6: {  	s17 =	simm.s32 $0x280;
	s18 =	simm.s32 $0x8400;
	s19 =	simm.s32 $0x300  }
0x7: {  	s20 =	simm.s32 $0x9400;
	s21 =	simm.s32 $0x380;
	s22 =	simm.s32 $0xA400  }
0x8: {  	s4 =	sand.u32 $0x1, s1;
	s30 =	sshll.u32 s0, $0x1;
	s8 =	smul.u32 $0xD0000, s0  }
0x9: {  	s23 =	simm.s32 $0x4;
	s1 =	sor.u32 s4, s30;
	s9 =	smul.u32 $0x68000, s4  }
0xa: {  	s24 =	simm.s32 $0x3;
	s25 =	simm.s32 $0x0;
	s7 =	smul.u32 $0x680, s1  }
.Ltmp0:
0xb: {  	[smem:$0x7FF] =	sst s2;
	s4 =	ssub.s32 $0x2, s4;
	(pc) =	sbr.rel .LBB2_1-.Ltmp0, $4  }
0xc: {  	s3 =	sadd.s32 $0xF42E00, s5;
	_ =	strace $0x80000047;
	s31 =	sshrl.u32 s4, $0x1  }
0xd: {  	s8 =	sadd.s32 s9, s8;
	s5 =	sadd.s32 s7, s5;
	s7 =	ssub.s32 s4, s31  }
0xe: {  	s8 =	sshrl.u32 s8, $0x3;
	s4 =	sadd.s32 $0xA00, s5;
	s5 =	smax.u32 s7, $0x1  }
0xf: {  	s6 =	sadd.s32 s8, s6;
	s7 =	simm.s32 $0x5;
	s8 =	simm.s32 $0x80  }
.LBB2_7:
0x10: {  	s25 =	sadd.s32 $0x1, s25  }
0x11: {  	_ =	swait.ge [sflag:s23], $0x8000;
	p0 =	sne.s32 s25, s5  }
.Ltmp1:
0x12: {  	[sflag:s23] =	ssyncset.done $0x0;
	(pc) =	sbr.rel @!p0 .LBB2_8-.Ltmp1, $4  }
0x13: {  	[sflag:s23] =	ssyncadd.s32 $0xFFFF8000  }
0x14: {  	_ =	swait.ge [sflag:s24], $0x8000  }
0x15: {  	[sflag:s24] =	ssyncset.done $0x0  }
0x16: {  	[sflag:s24] =	ssyncadd.s32 $0xFFFF8000  }
.LBB2_1:
0x17: {  	[tilespmem:s2], [sflag:$0x5] =	stream.linear.gather [hbm4b:s4+s2], $0x3400, $0x38;
	[tilespmem:$0x13400] =	vst v63  }
0x18: {  	_ =	swait.ge [sflag:s7], $0x3400  }
0x19: {  	[sflag:s7] =	ssyncset.done $0x0  }
0x1a: {  	s0 =	simm.s32 $0x3400;
	[sflag:s7] =	ssyncadd.s32 $0xFFFFCC00  }
0x1b: {  	[tilespmem:s0], [sflag:$0x1] =	stream.indirect.gather [hbm4b:s3+s8], $0x20, s2, s8, $0xb8;
	[tilespmem:$0x13400] =	vst v63  }
0x1c: {  	_ = 	snop  }
0x1d: {  	[tilespmem:s10], [sflag:$0x1] =	stream.indirect.gather [hbm4b:s3+s8], $0x20, s8, s8, $0xb8;
	[tilespmem:$0x13400] =	vst v63  }
0x1e: {  	_ = 	snop  }
0x1f: {  	[tilespmem:s12], [sflag:$0x1] =	stream.indirect.gather [hbm4b:s3+s8], $0x20, s11, s8, $0xb8;
	[tilespmem:$0x13400] =	vst v63  }
0x20: {  	_ = 	snop  }
0x21: {  	[tilespmem:s14], [sflag:$0x1] =	stream.indirect.gather [hbm4b:s3+s8], $0x20, s13, s8, $0xb8;
	[tilespmem:$0x13400] =	vst v63  }
0x22: {  	_ = 	snop  }
0x23: {  	[tilespmem:s16], [sflag:$0x1] =	stream.indirect.gather [hbm4b:s3+s8], $0x20, s15, s8, $0xb8;
	[tilespmem:$0x13400] =	vst v63  }
0x24: {  	_ = 	snop  }
0x25: {  	[tilespmem:s18], [sflag:$0x1] =	stream.indirect.gather [hbm4b:s3+s8], $0x20, s17, s8, $0xb8;
	[tilespmem:$0x13400] =	vst v63  }
.Ltmp2:
0x26: {  	_ = 	snop;
	(pc) =	sbr.rel .LBB2_2-.Ltmp2, $4  }
0x27: {  	_ = 	snop  }
0x28: {  	[tilespmem:s20], [sflag:$0x1] =	stream.indirect.gather [hbm4b:s3+s8], $0x20, s19, s8, $0xb8;
	[tilespmem:$0x13400] =	vst v63  }
0x29: {  	s26 =	simm.s32 $0x0;
	s28 =	simm.s32 $0x0  }
0x2a: {  	[tilespmem:s22], [sflag:$0x1] =	stream.indirect.gather [hbm4b:s3+s8], $0x20, s21, s8, $0xb8;
	[tilespmem:$0x13400] =	vst v63  }
.LBB2_5:
0x2b: {  	s31 =	sshll.u32 s30, $0xF;
	s1 =	sshra.s32 s26, $0x2  }
0x2c: {  	s30 =	sadd.s32 $0x1, s30;
	s0 =	sor.u32 $0x3400, s31;
	s9 =	sadd.s32 $0x400, s1  }
0x2d: {  	[tilespmem:s0], [sflag:s30] =	stream.indirect.gather [hbm4b:s3+s8], $0x20, s9, s8, $0xb8;
	[tilespmem:$0x13400] =	vst v63  }
0x2e: {  	s0 =	sor.u32 $0x4400, s31;
	s9 =	sadd.s32 $0x480, s1  }
0x2f: {  	[tilespmem:s0], [sflag:s30] =	stream.indirect.gather [hbm4b:s3+s8], $0x20, s9, s8, $0xb8;
	[tilespmem:$0x13400] =	vst v63  }
0x30: {  	s0 =	sor.u32 $0x5400, s31;
	s9 =	sadd.s32 $0x500, s1  }
0x31: {  	[tilespmem:s0], [sflag:s30] =	stream.indirect.gather [hbm4b:s3+s8], $0x20, s9, s8, $0xb8;
	[tilespmem:$0x13400] =	vst v63  }
0x32: {  	s0 =	sor.u32 $0x6400, s31;
	s9 =	sadd.s32 $0x580, s1  }
0x33: {  	[tilespmem:s0], [sflag:s30] =	stream.indirect.gather [hbm4b:s3+s8], $0x20, s9, s8, $0xb8;
	[tilespmem:$0x13400] =	vst v63  }
0x34: {  	s0 =	sor.u32 $0x7400, s31;
	s9 =	sadd.s32 $0x600, s1  }
0x35: {  	[tilespmem:s0], [sflag:s30] =	stream.indirect.gather [hbm4b:s3+s8], $0x20, s9, s8, $0xb8;
	[tilespmem:$0x13400] =	vst v63  }
0x36: {  	s0 =	sadd.s32 $0x8400, s31;
	s9 =	sadd.s32 $0x680, s1  }
0x37: {  	[tilespmem:s0], [sflag:s30] =	stream.indirect.gather [hbm4b:s3+s8], $0x20, s9, s8, $0xb8;
	[tilespmem:$0x13400] =	vst v63  }
0x38: {  	s0 =	sadd.s32 $0x9400, s31;
	s9 =	sadd.s32 $0x700, s1  }
0x39: {  	[tilespmem:s0], [sflag:s30] =	stream.indirect.gather [hbm4b:s3+s8], $0x20, s9, s8, $0xb8;
	[tilespmem:$0x13400] =	vst v63  }
0x3a: {  	s31 =	sadd.s32 $0xA400, s31;
	s1 =	sadd.s32 $0x780, s1  }
0x3b: {  	[tilespmem:s31], [sflag:s30] =	stream.indirect.gather [hbm4b:s3+s8], $0x20, s1, s8, $0xb8;
	[tilespmem:$0x13400] =	vst v63  }
.LBB2_6:
0x3c: {  	s9 =	sadd.s32 s26, s6;
	s26 =	sadd.s32 $0x1000, s26  }
0x3d: {  	p0 =	sne.s32 s26, $0xD000  }
.Ltmp3:
0x3e: {  	s0 =	sadd.s32 $0x1, s29;
	(pc) =	sbr.rel @!p0 .LBB2_7-.Ltmp3, $4  }
0x3f: {  	_ =	swait.ge [sflag:s0], $0x8000  }
0x40: {  	s1 =	sshll.u32 s29, $0xF;
	s31 =	sadd.s32 $0x3, s29;
	[sflag:s0] =	ssyncset.done $0x0  }
0x41: {  	s28 =	sadd.s32 $0x1, s28;
	s1 =	sor.u32 $0x3400, s1;
	[sflag:s0] =	ssyncadd.s32 $0xFFFF8000  }
0x42: {  	[hbm4b:s9+s2] =	stream.linear.scatter [tilespmem:s1], [sflag:s31], $0x8000, $0x38;
	[tilespmem:$0x13400] =	vst v63  }
.LBB2_2:
0x43: {  	p0 =	seq.s32 s28, $0x0  }
.Ltmp4:
0x44: {  	_ = 	snop;
	(pc) =	sbr.rel @p0 .LBB2_5-.Ltmp4, $3  }
0x45: {  	_ =	sdelay $0x1  }
0x46: {  	s29 =	sand.u32 $0x1, s28  }
0x47: {  	s30 =	sxor.u32 $0x1, s29  }
0x48: {  	p0 =	seq.s32 s28, $0xC  }
.Ltmp5:
0x49: {  	_ = 	snop;
	(pc) =	sbr.rel @p0 .LBB2_6-.Ltmp5, $1  }
0x4a: {  	_ =	sdelay $0x3  }
.Ltmp6:
0x4b: {  	(pc) =	sbr.rel .LBB2_5-.Ltmp6, $4  }
0x4c: {  	s31 =	sadd.s32 $0x3, s30  }
0x4d: {  	_ =	swait.ge [sflag:s31], $0x8000  }
0x4e: {  	[sflag:s31] =	ssyncset.done $0x0  }
0x4f: {  	[sflag:s31] =	ssyncadd.s32 $0xFFFF8000  }
.LBB2_8:
0x50: {  	_ =	sfence.sel $0x180000  }
0x51: {  	[bflag:$0x0] =	sbarrier.arrive $0xFFFF  }
0x52: {  	_ =	strace $0x90000047  }
0x53: {  	s0 =	stileid.u32;
	[bflag:$0x2] =	sbarrier.arrive $0xFFFF  }
0x54: {  	p0 =	sne.s32 s0, $0x0;
	s0 =	rddreg [dreg:$0x2]  }
0x55: {  	s0 =	sadd.s32 @!p0 $0x100000, s0  }
0x56: {  	[sflag:s0] =	ssyncadd.tile.s32 @!p0 $0x1;
	_ =	shalt  }
.Lfunc_end2:
_tile_overlayer_lowered:
.L_overlay_start_2:
0x57: {  	(tag) =	ssettag $0x2  }
0x58: {  	s0 =	rddreg [dreg:$0x0];
	s2 =	stileid.u32  }
0x59: {  	s1 =	rddreg [dreg:$0x1];
	p0 =	sne.s32 s2, $0x0  }
0x5a: {  	s3 =	rddreg [dreg:$0x2];
	[bflag:$0x3] =	sbarrier.arrive $0xFFFF;
	s2 =	simm.s32 @!p0 $0x1C05  }
0x5b: {  	[timem:s3], [sflag:s2] =	dma.local @!p0 [hbm:s0], s1  }
0x5c: {  	s0 =	simm.s32 @!p0 $0x5  }
0x5d: {  	_ =	swait.ge @!p0 [sflag:s0], s1  }
0x5e: {  	s1 =	ssub.s32 @!p0 $0x0, s1;
	[sflag:s0] =	ssyncset.done @!p0 $0x0  }
0x5f: {  	[sflag:s0] =	ssyncadd.s32 @!p0 s1  }
0x60: {  	[bflag:$0x3] =	sbarrier.arrive $0xFFFF  }
0x61: {  	_ =	shalt  }

// kernel: sparse-core-data-format-call.cloned.1.call-start
scs
called_computation_lowered:
.L_overlay_start_0:
0x0: {  	s2 =	sld [smem:$0x3FD9]  }
0x1: {  	s3 =	sld [smem:$0x3FFE];
	_ =	sdelay $0x1  }
0x2: {  	s1 =	srdreg.scid  }
0x3: {  	s0 =	sand.u32 $0x1, s1  }
0x4: {  	s18 =	sshll.u32 s0, $0xA;
	s2 =	sadd.s32 s3, s2  }
0x5: {  	s2 =	sadd.s32 s2, s18  }
0x6: {  	[smem:$0x3FC6] =	sst s2  }
0x7: {  	_ = 	snop  }
0x8: {  	s2 =	sld [smem:$0x3FD0];
	(tm) =	ssettm $0x1  }
0x9: {  	s19 =	sld [smem:$0x3FFB];
	_ =	sdelay $0x3  }
0xa: {  	_ =	strace s19  }
0xb: {  	s3 =	sld [smem:$0x3FFC];
	_ =	sdelay $0x3  }
0xc: {  	_ =	strace s3  }
0xd: {  	s3 =	sld [smem:$0x3FFD];
	_ =	sdelay $0x3  }
0xe: {  	_ =	strace s3  }
0xf: {  	_ =	strace $0x8FFFFFFF  }
0x10: {  	s20 =	sld [smem:$0x3FDB];
	_ =	sdelay $0x1  }
0x11: {  	s4 =	simm.s32 $_scs_section_size  }
0x12: {  	s5 =	simm.s32 $_size__tile_overlayer_lowered;
	s6 =	simm.s32 $_tile_overlayer_lowered  }
0x13: {  	s23 =	simm.s32 $0x1BFF;
	s22 =	sshll.u32 s6, $0x1;
	s3 =	sadd.s32 s4, s20  }
0x14: {  	s7 =	simm.s32 $0x0;
	s21 =	sshll.u32 s5, $0x1;
	s5 =	sadd.s32 s22, s3  }
0x15: {  	[timem:s7], [sflag:s23] =	dma.local [hbm:s5], s21  }
0x16: {  	_ =	swait.ge [sflag:s23], s21  }
0x17: {  	s4 =	ssub.s32 $0x0, s21;
	[sflag:s23] =	ssyncset.done $0x0  }
0x18: {  	[sflag:s23] =	ssyncadd.s32 s4;
	_ =	sdelay $0x1  }
0x19: {  	s24 =	simm.s32 $0x1B8B  }
0x1a: {  	_ =	swait.ge [sflag:s24], $0x1  }
0x1b: {  	[sflag:s24] =	ssyncset.done $0x0  }
0x1c: {  	s26 =	simm.s32 $0x1B8E;
	s25 =	sld [smem:$0x3FFE];
	[sflag:s24] =	ssyncadd.s32 $0xFFFFFFFF  }
0x1d: {  	s27 =	simm.s32 $execute0_lowered;
	[smem:$0x3FD2] =	sst s26  }
0x1e: {  	s5 =	sshll.u32 s27, $0x1;
	_ =	strace $0x80000049;
	[dreg:$0x1] =	wrdreg $0xFFFFFFFF  }
0x1f: {  	s28 =	simm.s32 $_size_execute0_lowered;
	s3 =	sadd.s32 s3, s5;
	[dreg:$0x0] =	wrdreg $0x0  }
0x20: {  	s5 =	sshll.u32 s28, $0x1;
	[dreg:$0x2] =	wrdreg s3  }
0x21: {  	[dreg:$0x3] =	wrdreg s5  }
0x22: {  	[dreg:$0x4] =	wrdreg $0xC0  }
0x23: {  	_ =	task [dreg:s7], $0x5FFFF  }
0x24: {  	[dreg:$0x1] =	wrdreg $0xFFFFFFFF  }
0x25: {  	[dreg:$0x0] =	wrdreg $0x60  }
0x26: {  	[dreg:$0x2] =	wrdreg s25  }
0x27: {  	[dreg:$0x3] =	wrdreg s2  }
0x28: {  	[dreg:$0x4] =	wrdreg $0x9  }
0x29: {  	_ =	task.clear_ibuf [dreg:s7], $0x5FFFF;
	_ =	strace $0x90000049  }
0x2a: {  	s29 =	simm.s32 $0x9;
	_ =	strace $0x8000004B  }
0x2b: {  	_ =	swait.ge [sflag:s29], $0x1  }
0x2c: {  	[sflag:s29] =	ssyncadd.s32 $0xFFFFFFFF  }
0x2d: {  	_ =	strace $0x9000004B  }
0x2e: {  	_ =	sfence  }
0x2f: {  	s30 =	sld [smem:$0x0];
	_ =	sdelay $0x2  }
0x30: {  	s31 =	sshll.u32 s1, $0xD;
	s1 =	sshrl.u32 s1, $0x2  }
0x31: {  	s3 =	sand.u32 $0x4000, s31;
	s1 =	sadd.s32 s1, s30  }
0x32: {  	s0 =	sor.u32 s3, s0;
	s1 =	sshll.u32 s1, $0x11  }
0x33: {  	s0 =	sor.u32 s1, s0  }
0x34: {  	s0 =	sadd.s32 $0x8F2B, s0  }
0x35: {  	[sflag:s0] =	ssyncadd.remote.s32 $0x1  }
0x36: {  	_ =	sfence.sel $0xFFFF  }
0x37: {  	[dreg:$0x0] =	wrdreg $0xFFFFFFFF;
	(pc) =	sbr.abs _section_cstart, $3  }
0x38: {  	[dreg:$0x1] =	wrdreg $0xFFFFFFFF  }
0x39: {  	_ =	task.clear_ibuf [dreg:s7], $0x2FFFF;
	_ =	strace $0x9FFFFFFF  }
0x3a: {  	(tm) =	ssettm $0x7FFFFFFF  }
0x3b: {  	_ =	shalt  }
tec
execute0_lowered:
.L_overlay_start_1:
0x0: {  	(tag) =	ssettag $0x1  }
0x1: {  	s0 =	srdreg.scid  }
0x2: {  	s1 =	sshll.u32 s0, $0x4  }
0x3: {  	s0 =	stileid.u32;
	s1 =	sand.u32 $0x10, s1  }
0x4: {  	s1 =	sor.u32 s0, s1  }
0x5: {  	s6 =	rddreg [dreg:$0x0];
	s4 =	simm.s32 $0x1;
	s2 =	sshll.u32 s1, $0x7  }
0x6: {  	s7 =	simm.s32 $0x2;
	s12 =	simm.s32 $0x0;
	s1 =	ssub.s32 $0x4000, s2  }
0x7: {  	s8 =	simm.s32 $0x20000;
	s13 =	simm.s32 $0x0;
	s3 =	sand.u32 $0xF80, s1  }
0x8: {  	s9 =	simm.s32 $0x0;
	s5 =	sshrl.u32 s1, $0xC;
	p0 =	sne.s32 s3, $0x0  }
.Ltmp0:
0x9: {  	s1 =	rddreg [dreg:$0x2];
	s4 =	simm.s32 @!p0 $0x0;
	(pc) =	sbr.rel .LBB1_1-.Ltmp0, $4  }
0xa: {  	s11 =	simm.s32 $0x0;
	s3 =	rddreg [dreg:$0x1];
	s5 =	sadd.s32 s4, s5  }
0xb: {  	_ =	strace $0x8000004A;
	s4 =	simm.s32 $0x1;
	s5 =	smul.u32 $0x1A, s5  }
0xc: {  	s6 =	sadd.s32 $0xA00, s6;
	s10 =	smov.u32 s2;
	[sflag:s4] =	ssyncpa.u1 $0x0  }
0xd: {  	p0 =	por $0x0, $0x0;
	[sflag:s7] =	ssyncpa.u1 $0x0;
	s7 =	sor.u32 $0x1, s5  }
.LBB1_4:
0xe: {  	s16 =	sshll.u32 s13, $0x3;
	s17 =	sand.u32 $0x78, s13  }
0xf: {  	s30 =	sand.u32 $0xF800, s13;
	s12 =	sshll.u32 s12, $0x10;
	s16 =	sand.u32 $0x3C00, s16  }
0x10: {  	s31 =	sand.u32 $0x7, s13;
	s16 =	sor.u32 s17, s16;
	s17 =	sadd.s32 s3, s30  }
0x11: {  	s13 =	sshll.u32 s31, $0x12;
	s16 =	sshrl.u32 s16, $0x3;
	s12 =	sadd.s32 s12, s17  }
0x12: {  	[tilespmem:s15+$0x0 ss:$0x81] =	vst.msk $0xffff, v0;
	s13 =	sor.u32 $0x400, s13;
	s12 =	sadd.s32 s16, s12  }
0x13: {  	[hbm4b:s12+s13] =	stream.strided.scatter [tilespmem:s14], [sflag:$0x2], $0x1000, s8, s13, $0x20;
	[tilespmem:$0x4040] =	vst v63  }
.LBB1_5:
0x14: {  	s14 =	sadd.s32 $0x1, s9  }
0x15: {  	s12 =	sadd.s32 $0x1000, s10;
	s16 =	smov.u32 s10;
	p2 =	sgt.s32 s14, $0x19  }
0x16: {  	s16 =	smov.u32 @p2 s12  }
0x17: {  	s14 =	simm.s32 @p2 $0x0;
	p2 =	sgt.s32 s16, $0x3FFF  }
0x18: {  	s16 =	smov.u32 @p2 s2;
	p2 =	sne.s32 s11, s7  }
.Ltmp1:
0x19: {  	p1 =	slt.u32 s11, $0x2;
	(pc) =	sbr.rel @!p2 .LBB1_6-.Ltmp1, $4  }
0x1a: {  	s15 =	simm.s32 @!p1 $0x2  }
0x1b: {  	s13 =	smov.u32 s10;
	p0 =	por !p0, !p0;
	_ =	swait.ge @!p1 [sflag:s15], $0x1000  }
0x1c: {  	s12 =	smov.u32 s9;
	[sflag:s15] =	ssyncset.done @!p1 $0x0;
	s9 =	smov.u32 s14  }
0x1d: {  	s11 =	sadd.s32 $0x1, s11;
	[sflag:s15] =	ssyncadd.s32 @!p1 $0xFFFFF000;
	s10 =	smov.u32 s16  }
.LBB1_1:
0x1e: {  	p1 =	sge.u32 s11, s5  }
0x1f: {  	s31 =	sadd.s32 $0xFFFFFFFF, s11;
	s14 =	sxor.u32 @!p1 $0xFFFFFFFF, s11  }
0x20: {  	s15 =	sshll.u32 @!p1 s10, $0x9;
	s16 =	sshll.u32 @!p1 s9, $0x4;
	s17 =	simm.s32 @!p1 $0x1000  }
0x21: {  	s14 =	sshll.u32 @!p1 s14, $0xC;
	s16 =	sand.u32 @!p1 $0x1F0, s16;
	s15 =	sadd.s32 @!p1 s6, s15  }
0x22: {  	s14 =	sand.u32 @!p1 $0x1000, s14;
	s15 =	sadd.s32 @!p1 s16, s15;
	s16 =	simm.s32 @!p1 $0x20  }
0x23: {  	[tilespmem:s14], [sflag:$0x1] =	stream.strided.gather @!p1 [hbm4b:s15+s16], $0x1000, s17, s16, $0x38;
	[tilespmem:$0x4040] =	vst v63  }
0x24: {  	p1 =	sge.u32 s31, s5  }
.Ltmp2:
0x25: {  	_ = 	snop;
	(pc) =	sbr.rel @p1 .LBB1_5-.Ltmp2, $1  }
0x26: {  	_ =	sdelay $0x3  }
0x27: {  	s14 =	simm.s32 $0x1  }
0x28: {  	_ =	swait.ge [sflag:s4], $0x1000;
	s14 =	simm.s32 @!p0 $0x0  }
0x29: {  	[sflag:s4] =	ssyncset.done $0x0;
	s15 =	sshll.u32 s14, $0xC  }
0x2a: {  	[sflag:s4] =	ssyncadd.s32 $0xFFFFF000;
	s18 =	sor.u32 $0x10, s15  }
0x2b: {  	s14 =	smul.u32 $0x4080, s14;
	v1 =	vld [tilespmem:s18+$0x0]  }
0x2c: {  	s30 =	sand.u32 $0x1, s11;
	v0 =	vld [tilespmem:s18+$0xFFFFFFF0]  }
0x2d: {  	s15 =	smul.u32 $0x4080, s30;
	s14 =	sshrl.u32 s14, $0x2  }
0x2e: {  	s16 =	sor.u32 $0x2000, s14  }
0x2f: {  	s31 =	sshrl.u32 s15, $0x2;
	s15 =	sadd.s32 $0x0, s16  }
0x30: {  	s17 =	simm.s32 $0x4;
	s18 =	sadd.s32 $0x20, s18;
	s14 =	sor.u32 $0x2000, s31;
	[tilespmem:s15+$0x810 ss:$0x81] =	vst.msk $0xffff, v1  }
.LBB1_3:
0x31: {  	v1 =	vld [tilespmem:s18+$0x0];
	p1 =	sne.s32 s17, $0x1FC;
	[tilespmem:s15+$0x0 ss:$0x81] =	vst.msk $0xffff, v0;
	s15 =	smov.u32 s17;
	s17 =	sadd.s32 $0x4, s17  }
.Ltmp3:
0x32: {  	v0 =	vld [tilespmem:s18+$0xFFFFFFF0];
	(pc) =	sbr.rel @p1 .LBB1_3-.Ltmp3, $4  }
0x33: {  	_ = 	snop  }
0x34: {  	s15 =	sshra.s32 s15, $0x2  }
0x35: {  	s15 =	sadd.s32 s15, s16  }
0x36: {  	s18 =	sadd.s32 $0x20, s18;
	[tilespmem:s15+$0x810 ss:$0x81] =	vst.msk $0xffff, v1  }
.Ltmp4:
0x37: {  	_ = 	snop;
	(pc) =	sbr.rel .LBB1_4-.Ltmp4, $1  }
0x38: {  	_ =	sdelay $0x3  }
.LBB1_6:
0x39: {  	_ =	sfence.sel $0x180000  }
0x3a: {  	s2 =	simm.s32 $0x1;
	[bflag:$0x0] =	sbarrier.arrive $0xFFFF  }
0x3b: {  	s31 =	simm.s32 $0x2;
	[sflag:s2] =	ssyncpa.u1 $0x1  }
0x3c: {  	[sflag:s31] =	ssyncpa.u1 $0x1  }
0x3d: {  	p0 =	sne.s32 s0, $0x0;
	_ =	strace $0x9000004A  }
0x3e: {  	s0 =	sadd.s32 @!p0 $0x100000, s1;
	[bflag:$0x2] =	sbarrier.arrive $0xFFFF  }
0x3f: {  	[sflag:s0] =	ssyncadd.tile.s32 @!p0 $0x1;
	_ =	shalt  }
.Lfunc_end1:
_tile_overlayer_lowered:
.L_overlay_start_2:
0x40: {  	(tag) =	ssettag $0x2  }
0x41: {  	s0 =	rddreg [dreg:$0x0];
	s2 =	stileid.u32  }
0x42: {  	s1 =	rddreg [dreg:$0x1];
	p0 =	sne.s32 s2, $0x0  }
0x43: {  	s3 =	rddreg [dreg:$0x2];
	[bflag:$0x3] =	sbarrier.arrive $0xFFFF;
	s2 =	simm.s32 @!p0 $0x1C01  }
0x44: {  	[timem:s3], [sflag:s2] =	dma.local @!p0 [hbm:s0], s1  }
0x45: {  	s0 =	simm.s32 @!p0 $0x1  }
0x46: {  	_ =	swait.ge @!p0 [sflag:s0], s1  }
0x47: {  	s1 =	ssub.s32 @!p0 $0x0, s1;
	[sflag:s0] =	ssyncset.done @!p0 $0x0  }
0x48: {  	[sflag:s0] =	ssyncadd.s32 @!p0 s1  }
0x49: {  	[bflag:$0x3] =	sbarrier.arrive $0xFFFF  }
0x4a: {  	_ =	shalt  }

</sc_bundles>
